<compile_context>
chip_gen: v7x
topology: tpu7x:2x2x1
jax: 0.10.2.dev20260603
libtpu: 0.0.44.dev20260713+nightly
codegen_flags: <defaults>
</compile_context>

<pallas_src>
import functools

import jax
import jax.numpy as jnp
from jax import lax
from jax.experimental import pallas as pl
from jax.experimental.pallas import tpu as pltpu
from jax.experimental.pallas import tpu_sc as plsc

N_EMB = 8192
D_EMB = 64
N_TOK = 16384
BATCH = 16
HW = 1024
CK = 1024
N_CHUNKS = N_EMB // CK
IMGS_PER_STEP = 2
N_STEPS = BATCH // IMGS_PER_STEP


def _argmin_body(x_ref, e_ref, x2_ref, e2_ref, idx_ref):
    rows = lax.broadcasted_iota(jnp.int32, (CK, HW), 0).astype(jnp.float32)

    for img in range(IMGS_PER_STEP):
        xb = x_ref[img]
        x2 = x2_ref[img]
        run_min = jnp.full((1, HW), jnp.inf, dtype=jnp.float32)
        run_idx = jnp.zeros((1, HW), dtype=jnp.float32)
        for k in range(N_CHUNKS):
            ek = e_ref[pl.ds(k * CK, CK), :]
            e2 = e2_ref[pl.ds(k * CK, CK), :]
            c2 = lax.dot_general(ek + ek, xb, (((1,), (0,)), ((), ())),
                                 preferred_element_type=jnp.float32)
            d = (x2 + e2) - c2
            cmin = jnp.min(d, axis=0, keepdims=True)
            cand = jnp.where(d == cmin, rows, float(CK))
            carg = jnp.min(cand, axis=0, keepdims=True) + float(k * CK)
            better = cmin < run_min
            run_idx = jnp.where(better, carg, run_idx)
            run_min = jnp.where(better, cmin, run_min)

        idx_ref[pl.ds(img * 8, 8), :] = (
            run_idx.reshape(8, 128).astype(jnp.int32))


_argmin_call = pl.pallas_call(
    _argmin_body,
    grid=(N_STEPS,),
    in_specs=[
        pl.BlockSpec((IMGS_PER_STEP, D_EMB, HW), lambda n: (n, 0, 0)),
        pl.BlockSpec((N_EMB, D_EMB), lambda n: (0, 0)),
        pl.BlockSpec((IMGS_PER_STEP, 1, HW), lambda n: (n, 0, 0)),
        pl.BlockSpec((N_EMB, 1), lambda n: (0, 0)),
    ],
    out_specs=pl.BlockSpec((IMGS_PER_STEP * 8, 128), lambda n: (n, 0)),
    out_shape=jax.ShapeDtypeStruct((128, 128), jnp.int32),
)


_NC = 2
_NS = 16
_NW = _NC * _NS
_B_PER_W = N_TOK // _NW
_IDX_CHUNK = 128
_N_IDX_CHUNKS = _B_PER_W // _IDX_CHUNK


@functools.lru_cache(maxsize=None)
def _make_sc_gather():
    @functools.partial(
        pl.kernel,
        mesh=plsc.VectorSubcoreMesh(core_axis_name="c", subcore_axis_name="s"),
        compiler_params=pltpu.CompilerParams(use_tc_tiling_on_sc=False),
        out_type=jax.ShapeDtypeStruct((N_TOK, D_EMB), jnp.float32),
        scratch_types=[
            pltpu.VMEM((_N_IDX_CHUNKS, _IDX_CHUNK), jnp.int32),
            pltpu.VMEM((_B_PER_W, D_EMB), jnp.float32),
            pltpu.SemaphoreType.DMA,
        ],
    )
    def _sc_gather(table_hbm, idx_hbm, out_hbm, idx_v, rows_v, sem):
        wid = lax.axis_index("s") * _NC + lax.axis_index("c")
        base = wid * _B_PER_W
        pltpu.sync_copy(
            idx_hbm.at[pl.ds(wid * _N_IDX_CHUNKS, _N_IDX_CHUNKS)], idx_v)
        copies = [
            pltpu.async_copy(
                table_hbm.at[idx_v.at[j]],
                rows_v.at[pl.ds(j * _IDX_CHUNK, _IDX_CHUNK)],
                sem,
            )
            for j in range(_N_IDX_CHUNKS)
        ]
        for c in copies:
            c.wait()
        pltpu.sync_copy(rows_v, out_hbm.at[pl.ds(base, _B_PER_W)])

    return _sc_gather


def kernel(inputs, embedding_weight):
    x3 = inputs.reshape(BATCH, D_EMB, HW)
    flat = jnp.transpose(inputs, (0, 2, 3, 1)).reshape(-1, D_EMB)
    x2 = jnp.sum(flat ** 2, axis=1).reshape(BATCH, 1, HW)
    e2 = jnp.sum(embedding_weight ** 2, axis=1).reshape(N_EMB, 1)
    idx2 = _argmin_call(x3, embedding_weight, x2, e2)
    q = _make_sc_gather()(embedding_weight, idx2)
    return q.reshape(BATCH, 32, 32, D_EMB).transpose(0, 3, 1, 2)

# --- scband reference (transcript-rebuilt; emitter-appended) ---
"""Pipeline reference for scband-vector-quantizer-64398739636824 (READ-ONLY COPY).

The authoritative reference and input builder live on the scoring server;
editing this copy changes nothing except your own understanding.
"""

import jax, jax.numpy as jnp
import numpy as np

NUM_EMBEDDINGS = 8192
EMBEDDING_DIM = 64


def setup_inputs(seed: int = 0) -> dict:
    key = jax.random.key(seed)
    k1, k2 = jax.random.split(key)
    inputs = jax.random.normal(k1, (16, 64, 32, 32), dtype=jnp.float32)
    embedding_weight = jax.random.normal(k2, (NUM_EMBEDDINGS, EMBEDDING_DIM), dtype=jnp.float32)
    return {"inputs": inputs, "embedding_weight": embedding_weight}


def reference(inputs, embedding_weight):
    # permute NCHW -> NHWC
    x = jnp.transpose(inputs, (0, 2, 3, 1))
    input_shape = x.shape
    flat_input = x.reshape(-1, EMBEDDING_DIM)
    # squared L2 distances to every codebook entry
    distances = (
        jnp.sum(flat_input ** 2, axis=1, keepdims=True)
        + jnp.sum(embedding_weight ** 2, axis=1)
        - 2.0 * jnp.matmul(flat_input, embedding_weight.T)
    )
    encoding_indices = jnp.argmin(distances, axis=1)
    # one-hot scatter + matmul == gather of codebook rows
    quantized = jnp.take(embedding_weight, encoding_indices, axis=0).reshape(input_shape)
    # straight-through estimator
    quantized = x + jax.lax.stop_gradient(quantized - x)
    return jnp.transpose(quantized, (0, 3, 1, 2))

if __name__ == "__main__":
    import jax
    _d = setup_inputs()
    print(jax.jit(kernel)(*tuple(_d.values())))

</pallas_src>

<mosaic_0001>
#map = affine_map<(d0, d1) -> (0, 0)>
module attributes {stable_mosaic.version = 14 : i64} {
  func.func @_sc_gather(%arg0: i32, %arg1: i32, %arg2: memref<8192x64xf32, #tpu.memory_space<hbm>>, %arg3: memref<128x128xi32, #tpu.memory_space<hbm>>, %arg4: memref<16384x64xf32, #tpu.memory_space<hbm>>, %arg5: memref<4x128xi32, #tpu.memory_space<vmem>>, %arg6: memref<512x64xf32, #tpu.memory_space<vmem>>, %arg7: memref<!tpu.dma_semaphore, #tpu.memory_space<semaphore_mem>>) attributes {dimension_semantics = [#tpu.dimension_semantics<core_parallel>, #tpu.dimension_semantics<subcore_parallel>], iteration_bounds = array<i64: 2, 16>, scalar_prefetch = 0 : i64, scratch_operands = 3 : i64, tpu.core_type = #tpu.core_type<sc_vector_subcore>, window_params = [{transform_indices = #map}, {transform_indices = #map}, {transform_indices = #map}]} {
    %mul3A = arith.constant 2 : i32
    %mul3A_0 = arith.muli %arg1, %mul3A : i32
    %add3A = arith.addi %mul3A_0, %arg0 : i32
    %mul3A_1 = arith.constant 512 : i32
    %mul3A_2 = arith.muli %add3A, %mul3A_1 : i32
    %mul3A_3 = arith.constant 4 : i32
    %mul3A_4 = arith.muli %add3A, %mul3A_3 : i32
    "tpu.region"() ({
      %run_scoped3A = tpu.sem_alloc : memref<!tpu.dma_semaphore, #tpu.memory_space<semaphore_mem>>
      %dma_start3A_83 = arith.constant 0 : i32
      %dma_start3A_84 = tpu.memref_slice %arg3[%mul3A_4, %dma_start3A_83] : memref<128x128xi32, #tpu.memory_space<hbm>> -> memref<4x128xi32, #tpu.memory_space<hbm>>
      %dma_start3A_85 = arith.constant 0 : i32
      %dma_start3A_86 = tpu.memref_slice %arg3[%mul3A_4, %dma_start3A_85] : memref<128x128xi32, #tpu.memory_space<hbm>> -> memref<4x128xi32, #tpu.memory_space<hbm>>
      tpu.enqueue_dma source(%dma_start3A_86 : memref<4x128xi32, #tpu.memory_space<hbm>>) target(%arg5 : memref<4x128xi32, #tpu.memory_space<vmem>>) target_semaphore(%run_scoped3A : memref<!tpu.dma_semaphore, #tpu.memory_space<semaphore_mem>>)
      %dma_wait3A_87 = arith.constant 0 : i32
      %dma_wait3A_88 = tpu.memref_slice %arg3[%mul3A_4, %dma_wait3A_87] : memref<128x128xi32, #tpu.memory_space<hbm>> -> memref<4x128xi32, #tpu.memory_space<hbm>>
      %dma_wait3A_89 = arith.constant 0 : i32
      %dma_wait3A_90 = tpu.memref_slice %arg3[%mul3A_4, %dma_wait3A_89] : memref<128x128xi32, #tpu.memory_space<hbm>> -> memref<4x128xi32, #tpu.memory_space<hbm>>
      tpu.wait_dma2 semaphore(%run_scoped3A : memref<!tpu.dma_semaphore, #tpu.memory_space<semaphore_mem>>) src(%dma_wait3A_90 : memref<4x128xi32, #tpu.memory_space<hbm>>) dst(%arg5 : memref<4x128xi32, #tpu.memory_space<vmem>>)
      tpu.yield
    }) : () -> ()
    %dma_start3A = arith.constant 0 : i32
    %dma_start3A_5 = arith.constant 0 : i32
    %dma_start3A_6 = arith.constant 0 : i32
    %dma_start3A_7 = tpu.memref_slice %arg6[%dma_start3A_5, %dma_start3A_6] : memref<512x64xf32, #tpu.memory_space<vmem>> -> memref<128x64xf32, #tpu.memory_space<vmem>>
    %dma_start3A_8 = arith.constant 0 : i32
    %dma_start3A_9 = tpu.memref_slice %arg5[%dma_start3A, %dma_start3A_8] : memref<4x128xi32, #tpu.memory_space<vmem>> -> memref<1x128xi32, #tpu.memory_space<vmem>>
    %dma_start3A_10 = tpu.memref_squeeze %dma_start3A_9 : memref<1x128xi32, #tpu.memory_space<vmem>> -> memref<128xi32, #tpu.memory_space<vmem>>
    %dma_start3A_11 = arith.constant 0 : i32
    %dma_start3A_12 = arith.constant 0 : i32
    %dma_start3A_13 = tpu.memref_slice %arg2[%dma_start3A_11, %dma_start3A_12] : memref<8192x64xf32, #tpu.memory_space<hbm>> -> memref<8192x64xf32, #tpu.memory_space<hbm>>
    tpu.enqueue_indirect_dma source(%dma_start3A_13 : memref<8192x64xf32, #tpu.memory_space<hbm>>) target(%dma_start3A_7 : memref<128x64xf32, #tpu.memory_space<vmem>>) offsets(%dma_start3A_10 : memref<128xi32, #tpu.memory_space<vmem>>) semaphore(%arg7 : memref<!tpu.dma_semaphore, #tpu.memory_space<semaphore_mem>>)
    %dma_start3A_14 = arith.constant 1 : i32
    %dma_start3A_15 = arith.constant 128 : i32
    %dma_start3A_16 = arith.constant 0 : i32
    %dma_start3A_17 = tpu.memref_slice %arg6[%dma_start3A_15, %dma_start3A_16] : memref<512x64xf32, #tpu.memory_space<vmem>> -> memref<128x64xf32, #tpu.memory_space<vmem>>
    %dma_start3A_18 = arith.constant 0 : i32
    %dma_start3A_19 = tpu.memref_slice %arg5[%dma_start3A_14, %dma_start3A_18] : memref<4x128xi32, #tpu.memory_space<vmem>> -> memref<1x128xi32, #tpu.memory_space<vmem>>
    %dma_start3A_20 = tpu.memref_squeeze %dma_start3A_19 : memref<1x128xi32, #tpu.memory_space<vmem>> -> memref<128xi32, #tpu.memory_space<vmem>>
    %dma_start3A_21 = arith.constant 0 : i32
    %dma_start3A_22 = arith.constant 0 : i32
    %dma_start3A_23 = tpu.memref_slice %arg2[%dma_start3A_21, %dma_start3A_22] : memref<8192x64xf32, #tpu.memory_space<hbm>> -> memref<8192x64xf32, #tpu.memory_space<hbm>>
    tpu.enqueue_indirect_dma source(%dma_start3A_23 : memref<8192x64xf32, #tpu.memory_space<hbm>>) target(%dma_start3A_17 : memref<128x64xf32, #tpu.memory_space<vmem>>) offsets(%dma_start3A_20 : memref<128xi32, #tpu.memory_space<vmem>>) semaphore(%arg7 : memref<!tpu.dma_semaphore, #tpu.memory_space<semaphore_mem>>)
    %dma_start3A_24 = arith.constant 2 : i32
    %dma_start3A_25 = arith.constant 256 : i32
    %dma_start3A_26 = arith.constant 0 : i32
    %dma_start3A_27 = tpu.memref_slice %arg6[%dma_start3A_25, %dma_start3A_26] : memref<512x64xf32, #tpu.memory_space<vmem>> -> memref<128x64xf32, #tpu.memory_space<vmem>>
    %dma_start3A_28 = arith.constant 0 : i32
    %dma_start3A_29 = tpu.memref_slice %arg5[%dma_start3A_24, %dma_start3A_28] : memref<4x128xi32, #tpu.memory_space<vmem>> -> memref<1x128xi32, #tpu.memory_space<vmem>>
    %dma_start3A_30 = tpu.memref_squeeze %dma_start3A_29 : memref<1x128xi32, #tpu.memory_space<vmem>> -> memref<128xi32, #tpu.memory_space<vmem>>
    %dma_start3A_31 = arith.constant 0 : i32
    %dma_start3A_32 = arith.constant 0 : i32
    %dma_start3A_33 = tpu.memref_slice %arg2[%dma_start3A_31, %dma_start3A_32] : memref<8192x64xf32, #tpu.memory_space<hbm>> -> memref<8192x64xf32, #tpu.memory_space<hbm>>
    tpu.enqueue_indirect_dma source(%dma_start3A_33 : memref<8192x64xf32, #tpu.memory_space<hbm>>) target(%dma_start3A_27 : memref<128x64xf32, #tpu.memory_space<vmem>>) offsets(%dma_start3A_30 : memref<128xi32, #tpu.memory_space<vmem>>) semaphore(%arg7 : memref<!tpu.dma_semaphore, #tpu.memory_space<semaphore_mem>>)
    %dma_start3A_34 = arith.constant 3 : i32
    %dma_start3A_35 = arith.constant 384 : i32
    %dma_start3A_36 = arith.constant 0 : i32
    %dma_start3A_37 = tpu.memref_slice %arg6[%dma_start3A_35, %dma_start3A_36] : memref<512x64xf32, #tpu.memory_space<vmem>> -> memref<128x64xf32, #tpu.memory_space<vmem>>
    %dma_start3A_38 = arith.constant 0 : i32
    %dma_start3A_39 = tpu.memref_slice %arg5[%dma_start3A_34, %dma_start3A_38] : memref<4x128xi32, #tpu.memory_space<vmem>> -> memref<1x128xi32, #tpu.memory_space<vmem>>
    %dma_start3A_40 = tpu.memref_squeeze %dma_start3A_39 : memref<1x128xi32, #tpu.memory_space<vmem>> -> memref<128xi32, #tpu.memory_space<vmem>>
    %dma_start3A_41 = arith.constant 0 : i32
    %dma_start3A_42 = arith.constant 0 : i32
    %dma_start3A_43 = tpu.memref_slice %arg2[%dma_start3A_41, %dma_start3A_42] : memref<8192x64xf32, #tpu.memory_space<hbm>> -> memref<8192x64xf32, #tpu.memory_space<hbm>>
    tpu.enqueue_indirect_dma source(%dma_start3A_43 : memref<8192x64xf32, #tpu.memory_space<hbm>>) target(%dma_start3A_37 : memref<128x64xf32, #tpu.memory_space<vmem>>) offsets(%dma_start3A_40 : memref<128xi32, #tpu.memory_space<vmem>>) semaphore(%arg7 : memref<!tpu.dma_semaphore, #tpu.memory_space<semaphore_mem>>)
    %dma_wait3A = arith.constant 0 : i32
    %dma_wait3A_44 = arith.constant 0 : i32
    %dma_wait3A_45 = arith.constant 0 : i32
    %dma_wait3A_46 = tpu.memref_slice %arg6[%dma_wait3A_44, %dma_wait3A_45] : memref<512x64xf32, #tpu.memory_space<vmem>> -> memref<128x64xf32, #tpu.memory_space<vmem>>
    %dma_wait3A_47 = arith.constant 0 : i32
    %dma_wait3A_48 = tpu.memref_slice %arg5[%dma_wait3A, %dma_wait3A_47] : memref<4x128xi32, #tpu.memory_space<vmem>> -> memref<1x128xi32, #tpu.memory_space<vmem>>
    %dma_wait3A_49 = tpu.memref_squeeze %dma_wait3A_48 : memref<1x128xi32, #tpu.memory_space<vmem>> -> memref<128xi32, #tpu.memory_space<vmem>>
    %dma_wait3A_50 = arith.constant 0 : i32
    %dma_wait3A_51 = arith.constant 0 : i32
    %dma_wait3A_52 = tpu.memref_slice %arg2[%dma_wait3A_50, %dma_wait3A_51] : memref<8192x64xf32, #tpu.memory_space<hbm>> -> memref<8192x64xf32, #tpu.memory_space<hbm>>
    tpu.wait_indirect_dma semaphore(%arg7 : memref<!tpu.dma_semaphore, #tpu.memory_space<semaphore_mem>>) src(%dma_wait3A_52 : memref<8192x64xf32, #tpu.memory_space<hbm>>) dst(%dma_wait3A_46 : memref<128x64xf32, #tpu.memory_space<vmem>>)
    %dma_wait3A_53 = arith.constant 1 : i32
    %dma_wait3A_54 = arith.constant 128 : i32
    %dma_wait3A_55 = arith.constant 0 : i32
    %dma_wait3A_56 = tpu.memref_slice %arg6[%dma_wait3A_54, %dma_wait3A_55] : memref<512x64xf32, #tpu.memory_space<vmem>> -> memref<128x64xf32, #tpu.memory_space<vmem>>
    %dma_wait3A_57 = arith.constant 0 : i32
    %dma_wait3A_58 = tpu.memref_slice %arg5[%dma_wait3A_53, %dma_wait3A_57] : memref<4x128xi32, #tpu.memory_space<vmem>> -> memref<1x128xi32, #tpu.memory_space<vmem>>
    %dma_wait3A_59 = tpu.memref_squeeze %dma_wait3A_58 : memref<1x128xi32, #tpu.memory_space<vmem>> -> memref<128xi32, #tpu.memory_space<vmem>>
    %dma_wait3A_60 = arith.constant 0 : i32
    %dma_wait3A_61 = arith.constant 0 : i32
    %dma_wait3A_62 = tpu.memref_slice %arg2[%dma_wait3A_60, %dma_wait3A_61] : memref<8192x64xf32, #tpu.memory_space<hbm>> -> memref<8192x64xf32, #tpu.memory_space<hbm>>
    tpu.wait_indirect_dma semaphore(%arg7 : memref<!tpu.dma_semaphore, #tpu.memory_space<semaphore_mem>>) src(%dma_wait3A_62 : memref<8192x64xf32, #tpu.memory_space<hbm>>) dst(%dma_wait3A_56 : memref<128x64xf32, #tpu.memory_space<vmem>>)
    %dma_wait3A_63 = arith.constant 2 : i32
    %dma_wait3A_64 = arith.constant 256 : i32
    %dma_wait3A_65 = arith.constant 0 : i32
    %dma_wait3A_66 = tpu.memref_slice %arg6[%dma_wait3A_64, %dma_wait3A_65] : memref<512x64xf32, #tpu.memory_space<vmem>> -> memref<128x64xf32, #tpu.memory_space<vmem>>
    %dma_wait3A_67 = arith.constant 0 : i32
    %dma_wait3A_68 = tpu.memref_slice %arg5[%dma_wait3A_63, %dma_wait3A_67] : memref<4x128xi32, #tpu.memory_space<vmem>> -> memref<1x128xi32, #tpu.memory_space<vmem>>
    %dma_wait3A_69 = tpu.memref_squeeze %dma_wait3A_68 : memref<1x128xi32, #tpu.memory_space<vmem>> -> memref<128xi32, #tpu.memory_space<vmem>>
    %dma_wait3A_70 = arith.constant 0 : i32
    %dma_wait3A_71 = arith.constant 0 : i32
    %dma_wait3A_72 = tpu.memref_slice %arg2[%dma_wait3A_70, %dma_wait3A_71] : memref<8192x64xf32, #tpu.memory_space<hbm>> -> memref<8192x64xf32, #tpu.memory_space<hbm>>
    tpu.wait_indirect_dma semaphore(%arg7 : memref<!tpu.dma_semaphore, #tpu.memory_space<semaphore_mem>>) src(%dma_wait3A_72 : memref<8192x64xf32, #tpu.memory_space<hbm>>) dst(%dma_wait3A_66 : memref<128x64xf32, #tpu.memory_space<vmem>>)
    %dma_wait3A_73 = arith.constant 3 : i32
    %dma_wait3A_74 = arith.constant 384 : i32
    %dma_wait3A_75 = arith.constant 0 : i32
    %dma_wait3A_76 = tpu.memref_slice %arg6[%dma_wait3A_74, %dma_wait3A_75] : memref<512x64xf32, #tpu.memory_space<vmem>> -> memref<128x64xf32, #tpu.memory_space<vmem>>
    %dma_wait3A_77 = arith.constant 0 : i32
    %dma_wait3A_78 = tpu.memref_slice %arg5[%dma_wait3A_73, %dma_wait3A_77] : memref<4x128xi32, #tpu.memory_space<vmem>> -> memref<1x128xi32, #tpu.memory_space<vmem>>
    %dma_wait3A_79 = tpu.memref_squeeze %dma_wait3A_78 : memref<1x128xi32, #tpu.memory_space<vmem>> -> memref<128xi32, #tpu.memory_space<vmem>>
    %dma_wait3A_80 = arith.constant 0 : i32
    %dma_wait3A_81 = arith.constant 0 : i32
    %dma_wait3A_82 = tpu.memref_slice %arg2[%dma_wait3A_80, %dma_wait3A_81] : memref<8192x64xf32, #tpu.memory_space<hbm>> -> memref<8192x64xf32, #tpu.memory_space<hbm>>
    tpu.wait_indirect_dma semaphore(%arg7 : memref<!tpu.dma_semaphore, #tpu.memory_space<semaphore_mem>>) src(%dma_wait3A_82 : memref<8192x64xf32, #tpu.memory_space<hbm>>) dst(%dma_wait3A_76 : memref<128x64xf32, #tpu.memory_space<vmem>>)
    "tpu.region"() ({
      %run_scoped3A = tpu.sem_alloc : memref<!tpu.dma_semaphore, #tpu.memory_space<semaphore_mem>>
      %dma_start3A_83 = arith.constant 0 : i32
      %dma_start3A_84 = tpu.memref_slice %arg4[%mul3A_2, %dma_start3A_83] : memref<16384x64xf32, #tpu.memory_space<hbm>> -> memref<512x64xf32, #tpu.memory_space<hbm>>
      %dma_start3A_85 = arith.constant 0 : i32
      %dma_start3A_86 = tpu.memref_slice %arg4[%mul3A_2, %dma_start3A_85] : memref<16384x64xf32, #tpu.memory_space<hbm>> -> memref<512x64xf32, #tpu.memory_space<hbm>>
      tpu.enqueue_dma source(%arg6 : memref<512x64xf32, #tpu.memory_space<vmem>>) target(%dma_start3A_86 : memref<512x64xf32, #tpu.memory_space<hbm>>) target_semaphore(%run_scoped3A : memref<!tpu.dma_semaphore, #tpu.memory_space<semaphore_mem>>)
      %dma_wait3A_87 = arith.constant 0 : i32
      %dma_wait3A_88 = tpu.memref_slice %arg4[%mul3A_2, %dma_wait3A_87] : memref<16384x64xf32, #tpu.memory_space<hbm>> -> memref<512x64xf32, #tpu.memory_space<hbm>>
      %dma_wait3A_89 = arith.constant 0 : i32
      %dma_wait3A_90 = tpu.memref_slice %arg4[%mul3A_2, %dma_wait3A_89] : memref<16384x64xf32, #tpu.memory_space<hbm>> -> memref<512x64xf32, #tpu.memory_space<hbm>>
      tpu.wait_dma2 semaphore(%run_scoped3A : memref<!tpu.dma_semaphore, #tpu.memory_space<semaphore_mem>>) src(%arg6 : memref<512x64xf32, #tpu.memory_space<vmem>>) dst(%dma_wait3A_90 : memref<512x64xf32, #tpu.memory_space<hbm>>)
      tpu.yield
    }) : () -> ()
    return
  }
}

module attributes {stable_mosaic.version = 14 : i64} {
  func.func @_argmin_body(%arg0: i32, %arg1: memref<2x64x1024xf32, #tpu.memory_space<vmem>>, %arg2: memref<8192x64xf32, #tpu.memory_space<vmem>>, %arg3: memref<2x1x1024xf32, #tpu.memory_space<vmem>>, %arg4: memref<8192x1xf32, #tpu.memory_space<vmem>>, %arg5: memref<16x128xi32, #tpu.memory_space<vmem>>) attributes {dimension_semantics = [#tpu.dimension_semantics<arbitrary>], iteration_bounds = array<i64: 8>, scalar_prefetch = 0 : i64, scratch_operands = 0 : i64, tpu.core_type = #tpu.core_type<tc>, window_params = [{transform_indices = @transform_0, window_bounds = array<i64: 2, 64, 1024>}, {pipeline_mode = #tpu.pipeline_mode<synchronous>, transform_indices = @transform_1, window_bounds = array<i64: 8192, 64>}, {transform_indices = @transform_2, window_bounds = array<i64: 2, 1, 1024>}, {pipeline_mode = #tpu.pipeline_mode<synchronous>, transform_indices = @transform_3, window_bounds = array<i64: 8192, 1>}, {transform_indices = @transform_4, window_bounds = array<i64: 16, 128>}]} {
    %iota3A = tpu.iota {dimensions = array<i32: 0>} : vector<1024x1024xi32>
    %convert_element_type3A = arith.sitofp %iota3A : vector<1024x1024xi32> to vector<1024x1024xf32>
    %get3A = arith.constant 0 : index
    %get3A_0 = arith.constant 0 : index
    %get3A_1 = arith.constant 0 : index
    %get3A_2 = vector.load %arg1[%get3A, %get3A_0, %get3A_1] : memref<2x64x1024xf32, #tpu.memory_space<vmem>>, vector<1x64x1024xf32>
    %get3A_3 = vector.shape_cast %get3A_2 : vector<1x64x1024xf32> to vector<64x1024xf32>
    %get3A_4 = arith.constant 0 : index
    %get3A_5 = arith.constant 0 : index
    %get3A_6 = arith.constant 0 : index
    %get3A_7 = vector.load %arg3[%get3A_4, %get3A_5, %get3A_6] : memref<2x1x1024xf32, #tpu.memory_space<vmem>>, vector<1x1x1024xf32>
    %get3A_8 = vector.shape_cast %get3A_7 : vector<1x1x1024xf32> to vector<1x1024xf32>
    %broadcast_in_dim3A = arith.constant 0x7F800000 : f32
    %broadcast_in_dim3A_9 = vector.broadcast %broadcast_in_dim3A : f32 to vector<1x1024xf32>
    %broadcast_in_dim3A_10 = arith.constant 0.000000e+00 : f32
    %broadcast_in_dim3A_11 = vector.broadcast %broadcast_in_dim3A_10 : f32 to vector<1x1024xf32>
    %get3A_12 = arith.constant 0 : index
    %get3A_13 = arith.constant 0 : index
    %get3A_14 = vector.load %arg2[%get3A_12, %get3A_13] : memref<8192x64xf32, #tpu.memory_space<vmem>>, vector<1024x64xf32>
    %get3A_15 = arith.constant 0 : index
    %get3A_16 = arith.constant 0 : index
    %get3A_17 = vector.load %arg4[%get3A_15, %get3A_16] : memref<8192x1xf32, #tpu.memory_space<vmem>>, vector<1024x1xf32>
    %add3A = arith.addf %get3A_14, %get3A_14 : vector<1024x64xf32>
    %dot_general3A = arith.constant dense<0.000000e+00> : vector<1024x1024xf32>
    %dot_general3A_18 = tpu.matmul %add3A, %get3A_3, %dot_general3A {dimension_numbers = #tpu.dot_dimension_numbers<[1], [0], [0], [1], [0, 0, 1, 1], [], []>, transpose_lhs_hint = false} : vector<1024x64xf32>, vector<64x1024xf32>, vector<1024x1024xf32> -> vector<1024x1024xf32>
    %add3A_19 = vector.broadcast %get3A_8 : vector<1x1024xf32> to vector<1024x1024xf32>
    %add3A_20 = vector.broadcast %get3A_17 : vector<1024x1xf32> to vector<1024x1024xf32>
    %add3A_21 = arith.addf %add3A_19, %add3A_20 : vector<1024x1024xf32>
    %sub3A = arith.subf %add3A_21, %dot_general3A_18 : vector<1024x1024xf32>
    %reduce_min3A = arith.constant dense<0x7F800000> : vector<1024xf32>
    %reduce_min3A_22 = vector.multi_reduction <minimumf>, %sub3A, %reduce_min3A [0] : vector<1024x1024xf32> to vector<1024xf32>
    %broadcast_in_dim3A_23 = vector.shape_cast %reduce_min3A_22 : vector<1024xf32> to vector<1x1024xf32>
    %eq3A = vector.broadcast %broadcast_in_dim3A_23 : vector<1x1024xf32> to vector<1024x1024xf32>
    %eq3A_24 = arith.cmpf oeq, %sub3A, %eq3A : vector<1024x1024xf32>
    %jit3A = arith.constant 1.024000e+03 : f32
    %broadcast_in_dim3A_25 = vector.broadcast %jit3A : f32 to vector<1024x1024xf32>
    %select_n3A = arith.select %eq3A_24, %convert_element_type3A, %broadcast_in_dim3A_25 : vector<1024x1024xi1>, vector<1024x1024xf32>
    %reduce_min3A_26 = arith.constant dense<0x7F800000> : vector<1024xf32>
    %reduce_min3A_27 = vector.multi_reduction <minimumf>, %select_n3A, %reduce_min3A_26 [0] : vector<1024x1024xf32> to vector<1024xf32>
    %broadcast_in_dim3A_28 = vector.shape_cast %reduce_min3A_27 : vector<1024xf32> to vector<1x1024xf32>
    %add3A_29 = arith.constant 0.000000e+00 : f32
    %add3A_30 = vector.broadcast %add3A_29 : f32 to vector<1x1024xf32>
    %add3A_31 = arith.addf %broadcast_in_dim3A_28, %add3A_30 : vector<1x1024xf32>
    %lt3A = arith.cmpf olt, %broadcast_in_dim3A_23, %broadcast_in_dim3A_9 : vector<1x1024xf32>
    %select_n3A_32 = arith.select %lt3A, %add3A_31, %broadcast_in_dim3A_11 : vector<1x1024xi1>, vector<1x1024xf32>
    %select_n3A_33 = arith.select %lt3A, %broadcast_in_dim3A_23, %broadcast_in_dim3A_9 : vector<1x1024xi1>, vector<1x1024xf32>
    %get3A_34 = arith.constant 1024 : index
    %get3A_35 = arith.constant 0 : index
    %get3A_36 = vector.load %arg2[%get3A_34, %get3A_35] : memref<8192x64xf32, #tpu.memory_space<vmem>>, vector<1024x64xf32>
    %get3A_37 = arith.constant 1024 : index
    %get3A_38 = arith.constant 0 : index
    %get3A_39 = vector.load %arg4[%get3A_37, %get3A_38] : memref<8192x1xf32, #tpu.memory_space<vmem>>, vector<1024x1xf32>
    %add3A_40 = arith.addf %get3A_36, %get3A_36 : vector<1024x64xf32>
    %dot_general3A_41 = arith.constant dense<0.000000e+00> : vector<1024x1024xf32>
    %dot_general3A_42 = tpu.matmul %add3A_40, %get3A_3, %dot_general3A_41 {dimension_numbers = #tpu.dot_dimension_numbers<[1], [0], [0], [1], [0, 0, 1, 1], [], []>, transpose_lhs_hint = false} : vector<1024x64xf32>, vector<64x1024xf32>, vector<1024x1024xf32> -> vector<1024x1024xf32>
    %add3A_43 = vector.broadcast %get3A_8 : vector<1x1024xf32> to vector<1024x1024xf32>
    %add3A_44 = vector.broadcast %get3A_39 : vector<1024x1xf32> to vector<1024x1024xf32>
    %add3A_45 = arith.addf %add3A_43, %add3A_44 : vector<1024x1024xf32>
    %sub3A_46 = arith.subf %add3A_45, %dot_general3A_42 : vector<1024x1024xf32>
    %reduce_min3A_47 = arith.constant dense<0x7F800000> : vector<1024xf32>
    %reduce_min3A_48 = vector.multi_reduction <minimumf>, %sub3A_46, %reduce_min3A_47 [0] : vector<1024x1024xf32> to vector<1024xf32>
    %broadcast_in_dim3A_49 = vector.shape_cast %reduce_min3A_48 : vector<1024xf32> to vector<1x1024xf32>
    %eq3A_50 = vector.broadcast %broadcast_in_dim3A_49 : vector<1x1024xf32> to vector<1024x1024xf32>
    %eq3A_51 = arith.cmpf oeq, %sub3A_46, %eq3A_50 : vector<1024x1024xf32>
    %jit3A_52 = arith.constant 1.024000e+03 : f32
    %broadcast_in_dim3A_53 = vector.broadcast %jit3A_52 : f32 to vector<1024x1024xf32>
    %select_n3A_54 = arith.select %eq3A_51, %convert_element_type3A, %broadcast_in_dim3A_53 : vector<1024x1024xi1>, vector<1024x1024xf32>
    %reduce_min3A_55 = arith.constant dense<0x7F800000> : vector<1024xf32>
    %reduce_min3A_56 = vector.multi_reduction <minimumf>, %select_n3A_54, %reduce_min3A_55 [0] : vector<1024x1024xf32> to vector<1024xf32>
    %broadcast_in_dim3A_57 = vector.shape_cast %reduce_min3A_56 : vector<1024xf32> to vector<1x1024xf32>
    %add3A_58 = arith.constant 1.024000e+03 : f32
    %add3A_59 = vector.broadcast %add3A_58 : f32 to vector<1x1024xf32>
    %add3A_60 = arith.addf %broadcast_in_dim3A_57, %add3A_59 : vector<1x1024xf32>
    %lt3A_61 = arith.cmpf olt, %broadcast_in_dim3A_49, %select_n3A_33 : vector<1x1024xf32>
    %select_n3A_62 = arith.select %lt3A_61, %add3A_60, %select_n3A_32 : vector<1x1024xi1>, vector<1x1024xf32>
    %select_n3A_63 = arith.select %lt3A_61, %broadcast_in_dim3A_49, %select_n3A_33 : vector<1x1024xi1>, vector<1x1024xf32>
    %get3A_64 = arith.constant 2048 : index
    %get3A_65 = arith.constant 0 : index
    %get3A_66 = vector.load %arg2[%get3A_64, %get3A_65] : memref<8192x64xf32, #tpu.memory_space<vmem>>, vector<1024x64xf32>
    %get3A_67 = arith.constant 2048 : index
    %get3A_68 = arith.constant 0 : index
    %get3A_69 = vector.load %arg4[%get3A_67, %get3A_68] : memref<8192x1xf32, #tpu.memory_space<vmem>>, vector<1024x1xf32>
    %add3A_70 = arith.addf %get3A_66, %get3A_66 : vector<1024x64xf32>
    %dot_general3A_71 = arith.constant dense<0.000000e+00> : vector<1024x1024xf32>
    %dot_general3A_72 = tpu.matmul %add3A_70, %get3A_3, %dot_general3A_71 {dimension_numbers = #tpu.dot_dimension_numbers<[1], [0], [0], [1], [0, 0, 1, 1], [], []>, transpose_lhs_hint = false} : vector<1024x64xf32>, vector<64x1024xf32>, vector<1024x1024xf32> -> vector<1024x1024xf32>
    %add3A_73 = vector.broadcast %get3A_8 : vector<1x1024xf32> to vector<1024x1024xf32>
    %add3A_74 = vector.broadcast %get3A_69 : vector<1024x1xf32> to vector<1024x1024xf32>
    %add3A_75 = arith.addf %add3A_73, %add3A_74 : vector<1024x1024xf32>
    %sub3A_76 = arith.subf %add3A_75, %dot_general3A_72 : vector<1024x1024xf32>
    %reduce_min3A_77 = arith.constant dense<0x7F800000> : vector<1024xf32>
    %reduce_min3A_78 = vector.multi_reduction <minimumf>, %sub3A_76, %reduce_min3A_77 [0] : vector<1024x1024xf32> to vector<1024xf32>
    %broadcast_in_dim3A_79 = vector.shape_cast %reduce_min3A_78 : vector<1024xf32> to vector<1x1024xf32>
    %eq3A_80 = vector.broadcast %broadcast_in_dim3A_79 : vector<1x1024xf32> to vector<1024x1024xf32>
    %eq3A_81 = arith.cmpf oeq, %sub3A_76, %eq3A_80 : vector<1024x1024xf32>
    %jit3A_82 = arith.constant 1.024000e+03 : f32
    %broadcast_in_dim3A_83 = vector.broadcast %jit3A_82 : f32 to vector<1024x1024xf32>
    %select_n3A_84 = arith.select %eq3A_81, %convert_element_type3A, %broadcast_in_dim3A_83 : vector<1024x1024xi1>, vector<1024x1024xf32>
    %reduce_min3A_85 = arith.constant dense<0x7F800000> : vector<1024xf32>
    %reduce_min3A_86 = vector.multi_reduction <minimumf>, %select_n3A_84, %reduce_min3A_85 [0] : vector<1024x1024xf32> to vector<1024xf32>
    %broadcast_in_dim3A_87 = vector.shape_cast %reduce_min3A_86 : vector<1024xf32> to vector<1x1024xf32>
    %add3A_88 = arith.constant 2.048000e+03 : f32
    %add3A_89 = vector.broadcast %add3A_88 : f32 to vector<1x1024xf32>
    %add3A_90 = arith.addf %broadcast_in_dim3A_87, %add3A_89 : vector<1x1024xf32>
    %lt3A_91 = arith.cmpf olt, %broadcast_in_dim3A_79, %select_n3A_63 : vector<1x1024xf32>
    %select_n3A_92 = arith.select %lt3A_91, %add3A_90, %select_n3A_62 : vector<1x1024xi1>, vector<1x1024xf32>
    %select_n3A_93 = arith.select %lt3A_91, %broadcast_in_dim3A_79, %select_n3A_63 : vector<1x1024xi1>, vector<1x1024xf32>
    %get3A_94 = arith.constant 3072 : index
    %get3A_95 = arith.constant 0 : index
    %get3A_96 = vector.load %arg2[%get3A_94, %get3A_95] : memref<8192x64xf32, #tpu.memory_space<vmem>>, vector<1024x64xf32>
    %get3A_97 = arith.constant 3072 : index
    %get3A_98 = arith.constant 0 : index
    %get3A_99 = vector.load %arg4[%get3A_97, %get3A_98] : memref<8192x1xf32, #tpu.memory_space<vmem>>, vector<1024x1xf32>
    %add3A_100 = arith.addf %get3A_96, %get3A_96 : vector<1024x64xf32>
    %dot_general3A_101 = arith.constant dense<0.000000e+00> : vector<1024x1024xf32>
    %dot_general3A_102 = tpu.matmul %add3A_100, %get3A_3, %dot_general3A_101 {dimension_numbers = #tpu.dot_dimension_numbers<[1], [0], [0], [1], [0, 0, 1, 1], [], []>, transpose_lhs_hint = false} : vector<1024x64xf32>, vector<64x1024xf32>, vector<1024x1024xf32> -> vector<1024x1024xf32>
    %add3A_103 = vector.broadcast %get3A_8 : vector<1x1024xf32> to vector<1024x1024xf32>
    %add3A_104 = vector.broadcast %get3A_99 : vector<1024x1xf32> to vector<1024x1024xf32>
    %add3A_105 = arith.addf %add3A_103, %add3A_104 : vector<1024x1024xf32>
    %sub3A_106 = arith.subf %add3A_105, %dot_general3A_102 : vector<1024x1024xf32>
    %reduce_min3A_107 = arith.constant dense<0x7F800000> : vector<1024xf32>
    %reduce_min3A_108 = vector.multi_reduction <minimumf>, %sub3A_106, %reduce_min3A_107 [0] : vector<1024x1024xf32> to vector<1024xf32>
    %broadcast_in_dim3A_109 = vector.shape_cast %reduce_min3A_108 : vector<1024xf32> to vector<1x1024xf32>
    %eq3A_110 = vector.broadcast %broadcast_in_dim3A_109 : vector<1x1024xf32> to vector<1024x1024xf32>
    %eq3A_111 = arith.cmpf oeq, %sub3A_106, %eq3A_110 : vector<1024x1024xf32>
    %jit3A_112 = arith.constant 1.024000e+03 : f32
    %broadcast_in_dim3A_113 = vector.broadcast %jit3A_112 : f32 to vector<1024x1024xf32>
    %select_n3A_114 = arith.select %eq3A_111, %convert_element_type3A, %broadcast_in_dim3A_113 : vector<1024x1024xi1>, vector<1024x1024xf32>
    %reduce_min3A_115 = arith.constant dense<0x7F800000> : vector<1024xf32>
    %reduce_min3A_116 = vector.multi_reduction <minimumf>, %select_n3A_114, %reduce_min3A_115 [0] : vector<1024x1024xf32> to vector<1024xf32>
    %broadcast_in_dim3A_117 = vector.shape_cast %reduce_min3A_116 : vector<1024xf32> to vector<1x1024xf32>
    %add3A_118 = arith.constant 3.072000e+03 : f32
    %add3A_119 = vector.broadcast %add3A_118 : f32 to vector<1x1024xf32>
    %add3A_120 = arith.addf %broadcast_in_dim3A_117, %add3A_119 : vector<1x1024xf32>
    %lt3A_121 = arith.cmpf olt, %broadcast_in_dim3A_109, %select_n3A_93 : vector<1x1024xf32>
    %select_n3A_122 = arith.select %lt3A_121, %add3A_120, %select_n3A_92 : vector<1x1024xi1>, vector<1x1024xf32>
    %select_n3A_123 = arith.select %lt3A_121, %broadcast_in_dim3A_109, %select_n3A_93 : vector<1x1024xi1>, vector<1x1024xf32>
    %get3A_124 = arith.constant 4096 : index
    %get3A_125 = arith.constant 0 : index
    %get3A_126 = vector.load %arg2[%get3A_124, %get3A_125] : memref<8192x64xf32, #tpu.memory_space<vmem>>, vector<1024x64xf32>
    %get3A_127 = arith.constant 4096 : index
    %get3A_128 = arith.constant 0 : index
    %get3A_129 = vector.load %arg4[%get3A_127, %get3A_128] : memref<8192x1xf32, #tpu.memory_space<vmem>>, vector<1024x1xf32>
    %add3A_130 = arith.addf %get3A_126, %get3A_126 : vector<1024x64xf32>
    %dot_general3A_131 = arith.constant dense<0.000000e+00> : vector<1024x1024xf32>
    %dot_general3A_132 = tpu.matmul %add3A_130, %get3A_3, %dot_general3A_131 {dimension_numbers = #tpu.dot_dimension_numbers<[1], [0], [0], [1], [0, 0, 1, 1], [], []>, transpose_lhs_hint = false} : vector<1024x64xf32>, vector<64x1024xf32>, vector<1024x1024xf32> -> vector<1024x1024xf32>
    %add3A_133 = vector.broadcast %get3A_8 : vector<1x1024xf32> to vector<1024x1024xf32>
    %add3A_134 = vector.broadcast %get3A_129 : vector<1024x1xf32> to vector<1024x1024xf32>
    %add3A_135 = arith.addf %add3A_133, %add3A_134 : vector<1024x1024xf32>
    %sub3A_136 = arith.subf %add3A_135, %dot_general3A_132 : vector<1024x1024xf32>
    %reduce_min3A_137 = arith.constant dense<0x7F800000> : vector<1024xf32>
    %reduce_min3A_138 = vector.multi_reduction <minimumf>, %sub3A_136, %reduce_min3A_137 [0] : vector<1024x1024xf32> to vector<1024xf32>
    %broadcast_in_dim3A_139 = vector.shape_cast %reduce_min3A_138 : vector<1024xf32> to vector<1x1024xf32>
    %eq3A_140 = vector.broadcast %broadcast_in_dim3A_139 : vector<1x1024xf32> to vector<1024x1024xf32>
    %eq3A_141 = arith.cmpf oeq, %sub3A_136, %eq3A_140 : vector<1024x1024xf32>
    %jit3A_142 = arith.constant 1.024000e+03 : f32
    %broadcast_in_dim3A_143 = vector.broadcast %jit3A_142 : f32 to vector<1024x1024xf32>
    %select_n3A_144 = arith.select %eq3A_141, %convert_element_type3A, %broadcast_in_dim3A_143 : vector<1024x1024xi1>, vector<1024x1024xf32>
    %reduce_min3A_145 = arith.constant dense<0x7F800000> : vector<1024xf32>
    %reduce_min3A_146 = vector.multi_reduction <minimumf>, %select_n3A_144, %reduce_min3A_145 [0] : vector<1024x1024xf32> to vector<1024xf32>
    %broadcast_in_dim3A_147 = vector.shape_cast %reduce_min3A_146 : vector<1024xf32> to vector<1x1024xf32>
    %add3A_148 = arith.constant 4.096000e+03 : f32
    %add3A_149 = vector.broadcast %add3A_148 : f32 to vector<1x1024xf32>
    %add3A_150 = arith.addf %broadcast_in_dim3A_147, %add3A_149 : vector<1x1024xf32>
    %lt3A_151 = arith.cmpf olt, %broadcast_in_dim3A_139, %select_n3A_123 : vector<1x1024xf32>
    %select_n3A_152 = arith.select %lt3A_151, %add3A_150, %select_n3A_122 : vector<1x1024xi1>, vector<1x1024xf32>
    %select_n3A_153 = arith.select %lt3A_151, %broadcast_in_dim3A_139, %select_n3A_123 : vector<1x1024xi1>, vector<1x1024xf32>
    %get3A_154 = arith.constant 5120 : index
    %get3A_155 = arith.constant 0 : index
    %get3A_156 = vector.load %arg2[%get3A_154, %get3A_155] : memref<8192x64xf32, #tpu.memory_space<vmem>>, vector<1024x64xf32>
    %get3A_157 = arith.constant 5120 : index
    %get3A_158 = arith.constant 0 : index
    %get3A_159 = vector.load %arg4[%get3A_157, %get3A_158] : memref<8192x1xf32, #tpu.memory_space<vmem>>, vector<1024x1xf32>
    %add3A_160 = arith.addf %get3A_156, %get3A_156 : vector<1024x64xf32>
    %dot_general3A_161 = arith.constant dense<0.000000e+00> : vector<1024x1024xf32>
    %dot_general3A_162 = tpu.matmul %add3A_160, %get3A_3, %dot_general3A_161 {dimension_numbers = #tpu.dot_dimension_numbers<[1], [0], [0], [1], [0, 0, 1, 1], [], []>, transpose_lhs_hint = false} : vector<1024x64xf32>, vector<64x1024xf32>, vector<1024x1024xf32> -> vector<1024x1024xf32>
    %add3A_163 = vector.broadcast %get3A_8 : vector<1x1024xf32> to vector<1024x1024xf32>
    %add3A_164 = vector.broadcast %get3A_159 : vector<1024x1xf32> to vector<1024x1024xf32>
    %add3A_165 = arith.addf %add3A_163, %add3A_164 : vector<1024x1024xf32>
    %sub3A_166 = arith.subf %add3A_165, %dot_general3A_162 : vector<1024x1024xf32>
    %reduce_min3A_167 = arith.constant dense<0x7F800000> : vector<1024xf32>
    %reduce_min3A_168 = vector.multi_reduction <minimumf>, %sub3A_166, %reduce_min3A_167 [0] : vector<1024x1024xf32> to vector<1024xf32>
    %broadcast_in_dim3A_169 = vector.shape_cast %reduce_min3A_168 : vector<1024xf32> to vector<1x1024xf32>
    %eq3A_170 = vector.broadcast %broadcast_in_dim3A_169 : vector<1x1024xf32> to vector<1024x1024xf32>
    %eq3A_171 = arith.cmpf oeq, %sub3A_166, %eq3A_170 : vector<1024x1024xf32>
    %jit3A_172 = arith.constant 1.024000e+03 : f32
    %broadcast_in_dim3A_173 = vector.broadcast %jit3A_172 : f32 to vector<1024x1024xf32>
    %select_n3A_174 = arith.select %eq3A_171, %convert_element_type3A, %broadcast_in_dim3A_173 : vector<1024x1024xi1>, vector<1024x1024xf32>
    %reduce_min3A_175 = arith.constant dense<0x7F800000> : vector<1024xf32>
    %reduce_min3A_176 = vector.multi_reduction <minimumf>, %select_n3A_174, %reduce_min3A_175 [0] : vector<1024x1024xf32> to vector<1024xf32>
    %broadcast_in_dim3A_177 = vector.shape_cast %reduce_min3A_176 : vector<1024xf32> to vector<1x1024xf32>
    %add3A_178 = arith.constant 5.120000e+03 : f32
    %add3A_179 = vector.broadcast %add3A_178 : f32 to vector<1x1024xf32>
    %add3A_180 = arith.addf %broadcast_in_dim3A_177, %add3A_179 : vector<1x1024xf32>
    %lt3A_181 = arith.cmpf olt, %broadcast_in_dim3A_169, %select_n3A_153 : vector<1x1024xf32>
    %select_n3A_182 = arith.select %lt3A_181, %add3A_180, %select_n3A_152 : vector<1x1024xi1>, vector<1x1024xf32>
    %select_n3A_183 = arith.select %lt3A_181, %broadcast_in_dim3A_169, %select_n3A_153 : vector<1x1024xi1>, vector<1x1024xf32>
    %get3A_184 = arith.constant 6144 : index
    %get3A_185 = arith.constant 0 : index
    %get3A_186 = vector.load %arg2[%get3A_184, %get3A_185] : memref<8192x64xf32, #tpu.memory_space<vmem>>, vector<1024x64xf32>
    %get3A_187 = arith.constant 6144 : index
    %get3A_188 = arith.constant 0 : index
    %get3A_189 = vector.load %arg4[%get3A_187, %get3A_188] : memref<8192x1xf32, #tpu.memory_space<vmem>>, vector<1024x1xf32>
    %add3A_190 = arith.addf %get3A_186, %get3A_186 : vector<1024x64xf32>
    %dot_general3A_191 = arith.constant dense<0.000000e+00> : vector<1024x1024xf32>
    %dot_general3A_192 = tpu.matmul %add3A_190, %get3A_3, %dot_general3A_191 {dimension_numbers = #tpu.dot_dimension_numbers<[1], [0], [0], [1], [0, 0, 1, 1], [], []>, transpose_lhs_hint = false} : vector<1024x64xf32>, vector<64x1024xf32>, vector<1024x1024xf32> -> vector<1024x1024xf32>
    %add3A_193 = vector.broadcast %get3A_8 : vector<1x1024xf32> to vector<1024x1024xf32>
    %add3A_194 = vector.broadcast %get3A_189 : vector<1024x1xf32> to vector<1024x1024xf32>
    %add3A_195 = arith.addf %add3A_193, %add3A_194 : vector<1024x1024xf32>
    %sub3A_196 = arith.subf %add3A_195, %dot_general3A_192 : vector<1024x1024xf32>
    %reduce_min3A_197 = arith.constant dense<0x7F800000> : vector<1024xf32>
    %reduce_min3A_198 = vector.multi_reduction <minimumf>, %sub3A_196, %reduce_min3A_197 [0] : vector<1024x1024xf32> to vector<1024xf32>
    %broadcast_in_dim3A_199 = vector.shape_cast %reduce_min3A_198 : vector<1024xf32> to vector<1x1024xf32>
    %eq3A_200 = vector.broadcast %broadcast_in_dim3A_199 : vector<1x1024xf32> to vector<1024x1024xf32>
    %eq3A_201 = arith.cmpf oeq, %sub3A_196, %eq3A_200 : vector<1024x1024xf32>
    %jit3A_202 = arith.constant 1.024000e+03 : f32
    %broadcast_in_dim3A_203 = vector.broadcast %jit3A_202 : f32 to vector<1024x1024xf32>
    %select_n3A_204 = arith.select %eq3A_201, %convert_element_type3A, %broadcast_in_dim3A_203 : vector<1024x1024xi1>, vector<1024x1024xf32>
    %reduce_min3A_205 = arith.constant dense<0x7F800000> : vector<1024xf32>
    %reduce_min3A_206 = vector.multi_reduction <minimumf>, %select_n3A_204, %reduce_min3A_205 [0] : vector<1024x1024xf32> to vector<1024xf32>
    %broadcast_in_dim3A_207 = vector.shape_cast %reduce_min3A_206 : vector<1024xf32> to vector<1x1024xf32>
    %add3A_208 = arith.constant 6.144000e+03 : f32
    %add3A_209 = vector.broadcast %add3A_208 : f32 to vector<1x1024xf32>
    %add3A_210 = arith.addf %broadcast_in_dim3A_207, %add3A_209 : vector<1x1024xf32>
    %lt3A_211 = arith.cmpf olt, %broadcast_in_dim3A_199, %select_n3A_183 : vector<1x1024xf32>
    %select_n3A_212 = arith.select %lt3A_211, %add3A_210, %select_n3A_182 : vector<1x1024xi1>, vector<1x1024xf32>
    %select_n3A_213 = arith.select %lt3A_211, %broadcast_in_dim3A_199, %select_n3A_183 : vector<1x1024xi1>, vector<1x1024xf32>
    %get3A_214 = arith.constant 7168 : index
    %get3A_215 = arith.constant 0 : index
    %get3A_216 = vector.load %arg2[%get3A_214, %get3A_215] : memref<8192x64xf32, #tpu.memory_space<vmem>>, vector<1024x64xf32>
    %get3A_217 = arith.constant 7168 : index
    %get3A_218 = arith.constant 0 : index
    %get3A_219 = vector.load %arg4[%get3A_217, %get3A_218] : memref<8192x1xf32, #tpu.memory_space<vmem>>, vector<1024x1xf32>
    %add3A_220 = arith.addf %get3A_216, %get3A_216 : vector<1024x64xf32>
    %dot_general3A_221 = arith.constant dense<0.000000e+00> : vector<1024x1024xf32>
    %dot_general3A_222 = tpu.matmul %add3A_220, %get3A_3, %dot_general3A_221 {dimension_numbers = #tpu.dot_dimension_numbers<[1], [0], [0], [1], [0, 0, 1, 1], [], []>, transpose_lhs_hint = false} : vector<1024x64xf32>, vector<64x1024xf32>, vector<1024x1024xf32> -> vector<1024x1024xf32>
    %add3A_223 = vector.broadcast %get3A_8 : vector<1x1024xf32> to vector<1024x1024xf32>
    %add3A_224 = vector.broadcast %get3A_219 : vector<1024x1xf32> to vector<1024x1024xf32>
    %add3A_225 = arith.addf %add3A_223, %add3A_224 : vector<1024x1024xf32>
    %sub3A_226 = arith.subf %add3A_225, %dot_general3A_222 : vector<1024x1024xf32>
    %reduce_min3A_227 = arith.constant dense<0x7F800000> : vector<1024xf32>
    %reduce_min3A_228 = vector.multi_reduction <minimumf>, %sub3A_226, %reduce_min3A_227 [0] : vector<1024x1024xf32> to vector<1024xf32>
    %broadcast_in_dim3A_229 = vector.shape_cast %reduce_min3A_228 : vector<1024xf32> to vector<1x1024xf32>
    %eq3A_230 = vector.broadcast %broadcast_in_dim3A_229 : vector<1x1024xf32> to vector<1024x1024xf32>
    %eq3A_231 = arith.cmpf oeq, %sub3A_226, %eq3A_230 : vector<1024x1024xf32>
    %jit3A_232 = arith.constant 1.024000e+03 : f32
    %broadcast_in_dim3A_233 = vector.broadcast %jit3A_232 : f32 to vector<1024x1024xf32>
    %select_n3A_234 = arith.select %eq3A_231, %convert_element_type3A, %broadcast_in_dim3A_233 : vector<1024x1024xi1>, vector<1024x1024xf32>
    %reduce_min3A_235 = arith.constant dense<0x7F800000> : vector<1024xf32>
    %reduce_min3A_236 = vector.multi_reduction <minimumf>, %select_n3A_234, %reduce_min3A_235 [0] : vector<1024x1024xf32> to vector<1024xf32>
    %broadcast_in_dim3A_237 = vector.shape_cast %reduce_min3A_236 : vector<1024xf32> to vector<1x1024xf32>
    %add3A_238 = arith.constant 7.168000e+03 : f32
    %add3A_239 = vector.broadcast %add3A_238 : f32 to vector<1x1024xf32>
    %add3A_240 = arith.addf %broadcast_in_dim3A_237, %add3A_239 : vector<1x1024xf32>
    %lt3A_241 = arith.cmpf olt, %broadcast_in_dim3A_229, %select_n3A_213 : vector<1x1024xf32>
    %select_n3A_242 = arith.select %lt3A_241, %add3A_240, %select_n3A_212 : vector<1x1024xi1>, vector<1x1024xf32>
    %reshape3A = vector.shape_cast %select_n3A_242 : vector<1x1024xf32> to vector<8x128xf32>
    %convert_element_type3A_243 = arith.fptosi %reshape3A : vector<8x128xf32> to vector<8x128xi32>
    %swap3A = arith.constant 0 : index
    %swap3A_244 = arith.constant 0 : index
    %swap3A_245 = vector.load %arg5[%swap3A, %swap3A_244] : memref<16x128xi32, #tpu.memory_space<vmem>>, vector<8x128xi32>
    tpu.vector_store %arg5[%swap3A, %swap3A_244], %convert_element_type3A_243 {strides = array<i32>} : memref<16x128xi32, #tpu.memory_space<vmem>>, vector<8x128xi32>,
    %get3A_246 = arith.constant 1 : index
    %get3A_247 = arith.constant 0 : index
    %get3A_248 = arith.constant 0 : index
    %get3A_249 = vector.load %arg1[%get3A_246, %get3A_247, %get3A_248] : memref<2x64x1024xf32, #tpu.memory_space<vmem>>, vector<1x64x1024xf32>
    %get3A_250 = vector.shape_cast %get3A_249 : vector<1x64x1024xf32> to vector<64x1024xf32>
    %get3A_251 = arith.constant 1 : index
    %get3A_252 = arith.constant 0 : index
    %get3A_253 = arith.constant 0 : index
    %get3A_254 = vector.load %arg3[%get3A_251, %get3A_252, %get3A_253] : memref<2x1x1024xf32, #tpu.memory_space<vmem>>, vector<1x1x1024xf32>
    %get3A_255 = vector.shape_cast %get3A_254 : vector<1x1x1024xf32> to vector<1x1024xf32>
    %broadcast_in_dim3A_256 = arith.constant 0x7F800000 : f32
    %broadcast_in_dim3A_257 = vector.broadcast %broadcast_in_dim3A_256 : f32 to vector<1x1024xf32>
    %broadcast_in_dim3A_258 = arith.constant 0.000000e+00 : f32
    %broadcast_in_dim3A_259 = vector.broadcast %broadcast_in_dim3A_258 : f32 to vector<1x1024xf32>
    %get3A_260 = arith.constant 0 : index
    %get3A_261 = arith.constant 0 : index
    %get3A_262 = vector.load %arg2[%get3A_260, %get3A_261] : memref<8192x64xf32, #tpu.memory_space<vmem>>, vector<1024x64xf32>
    %get3A_263 = arith.constant 0 : index
    %get3A_264 = arith.constant 0 : index
    %get3A_265 = vector.load %arg4[%get3A_263, %get3A_264] : memref<8192x1xf32, #tpu.memory_space<vmem>>, vector<1024x1xf32>
    %add3A_266 = arith.addf %get3A_262, %get3A_262 : vector<1024x64xf32>
    %dot_general3A_267 = arith.constant dense<0.000000e+00> : vector<1024x1024xf32>
    %dot_general3A_268 = tpu.matmul %add3A_266, %get3A_250, %dot_general3A_267 {dimension_numbers = #tpu.dot_dimension_numbers<[1], [0], [0], [1], [0, 0, 1, 1], [], []>, transpose_lhs_hint = false} : vector<1024x64xf32>, vector<64x1024xf32>, vector<1024x1024xf32> -> vector<1024x1024xf32>
    %add3A_269 = vector.broadcast %get3A_255 : vector<1x1024xf32> to vector<1024x1024xf32>
    %add3A_270 = vector.broadcast %get3A_265 : vector<1024x1xf32> to vector<1024x1024xf32>
    %add3A_271 = arith.addf %add3A_269, %add3A_270 : vector<1024x1024xf32>
    %sub3A_272 = arith.subf %add3A_271, %dot_general3A_268 : vector<1024x1024xf32>
    %reduce_min3A_273 = arith.constant dense<0x7F800000> : vector<1024xf32>
    %reduce_min3A_274 = vector.multi_reduction <minimumf>, %sub3A_272, %reduce_min3A_273 [0] : vector<1024x1024xf32> to vector<1024xf32>
    %broadcast_in_dim3A_275 = vector.shape_cast %reduce_min3A_274 : vector<1024xf32> to vector<1x1024xf32>
    %eq3A_276 = vector.broadcast %broadcast_in_dim3A_275 : vector<1x1024xf32> to vector<1024x1024xf32>
    %eq3A_277 = arith.cmpf oeq, %sub3A_272, %eq3A_276 : vector<1024x1024xf32>
    %jit3A_278 = arith.constant 1.024000e+03 : f32
    %broadcast_in_dim3A_279 = vector.broadcast %jit3A_278 : f32 to vector<1024x1024xf32>
    %select_n3A_280 = arith.select %eq3A_277, %convert_element_type3A, %broadcast_in_dim3A_279 : vector<1024x1024xi1>, vector<1024x1024xf32>
    %reduce_min3A_281 = arith.constant dense<0x7F800000> : vector<1024xf32>
    %reduce_min3A_282 = vector.multi_reduction <minimumf>, %select_n3A_280, %reduce_min3A_281 [0] : vector<1024x1024xf32> to vector<1024xf32>
    %broadcast_in_dim3A_283 = vector.shape_cast %reduce_min3A_282 : vector<1024xf32> to vector<1x1024xf32>
    %add3A_284 = arith.constant 0.000000e+00 : f32
    %add3A_285 = vector.broadcast %add3A_284 : f32 to vector<1x1024xf32>
    %add3A_286 = arith.addf %broadcast_in_dim3A_283, %add3A_285 : vector<1x1024xf32>
    %lt3A_287 = arith.cmpf olt, %broadcast_in_dim3A_275, %broadcast_in_dim3A_257 : vector<1x1024xf32>
    %select_n3A_288 = arith.select %lt3A_287, %add3A_286, %broadcast_in_dim3A_259 : vector<1x1024xi1>, vector<1x1024xf32>
    %select_n3A_289 = arith.select %lt3A_287, %broadcast_in_dim3A_275, %broadcast_in_dim3A_257 : vector<1x1024xi1>, vector<1x1024xf32>
    %get3A_290 = arith.constant 1024 : index
    %get3A_291 = arith.constant 0 : index
    %get3A_292 = vector.load %arg2[%get3A_290, %get3A_291] : memref<8192x64xf32, #tpu.memory_space<vmem>>, vector<1024x64xf32>
    %get3A_293 = arith.constant 1024 : index
    %get3A_294 = arith.constant 0 : index
    %get3A_295 = vector.load %arg4[%get3A_293, %get3A_294] : memref<8192x1xf32, #tpu.memory_space<vmem>>, vector<1024x1xf32>
    %add3A_296 = arith.addf %get3A_292, %get3A_292 : vector<1024x64xf32>
    %dot_general3A_297 = arith.constant dense<0.000000e+00> : vector<1024x1024xf32>
    %dot_general3A_298 = tpu.matmul %add3A_296, %get3A_250, %dot_general3A_297 {dimension_numbers = #tpu.dot_dimension_numbers<[1], [0], [0], [1], [0, 0, 1, 1], [], []>, transpose_lhs_hint = false} : vector<1024x64xf32>, vector<64x1024xf32>, vector<1024x1024xf32> -> vector<1024x1024xf32>
    %add3A_299 = vector.broadcast %get3A_255 : vector<1x1024xf32> to vector<1024x1024xf32>
    %add3A_300 = vector.broadcast %get3A_295 : vector<1024x1xf32> to vector<1024x1024xf32>
    %add3A_301 = arith.addf %add3A_299, %add3A_300 : vector<1024x1024xf32>
    %sub3A_302 = arith.subf %add3A_301, %dot_general3A_298 : vector<1024x1024xf32>
    %reduce_min3A_303 = arith.constant dense<0x7F800000> : vector<1024xf32>
    %reduce_min3A_304 = vector.multi_reduction <minimumf>, %sub3A_302, %reduce_min3A_303 [0] : vector<1024x1024xf32> to vector<1024xf32>
    %broadcast_in_dim3A_305 = vector.shape_cast %reduce_min3A_304 : vector<1024xf32> to vector<1x1024xf32>
    %eq3A_306 = vector.broadcast %broadcast_in_dim3A_305 : vector<1x1024xf32> to vector<1024x1024xf32>
    %eq3A_307 = arith.cmpf oeq, %sub3A_302, %eq3A_306 : vector<1024x1024xf32>
    %jit3A_308 = arith.constant 1.024000e+03 : f32
    %broadcast_in_dim3A_309 = vector.broadcast %jit3A_308 : f32 to vector<1024x1024xf32>
    %select_n3A_310 = arith.select %eq3A_307, %convert_element_type3A, %broadcast_in_dim3A_309 : vector<1024x1024xi1>, vector<1024x1024xf32>
    %reduce_min3A_311 = arith.constant dense<0x7F800000> : vector<1024xf32>
    %reduce_min3A_312 = vector.multi_reduction <minimumf>, %select_n3A_310, %reduce_min3A_311 [0] : vector<1024x1024xf32> to vector<1024xf32>
    %broadcast_in_dim3A_313 = vector.shape_cast %reduce_min3A_312 : vector<1024xf32> to vector<1x1024xf32>
    %add3A_314 = arith.constant 1.024000e+03 : f32
    %add3A_315 = vector.broadcast %add3A_314 : f32 to vector<1x1024xf32>
    %add3A_316 = arith.addf %broadcast_in_dim3A_313, %add3A_315 : vector<1x1024xf32>
    %lt3A_317 = arith.cmpf olt, %broadcast_in_dim3A_305, %select_n3A_289 : vector<1x1024xf32>
    %select_n3A_318 = arith.select %lt3A_317, %add3A_316, %select_n3A_288 : vector<1x1024xi1>, vector<1x1024xf32>
    %select_n3A_319 = arith.select %lt3A_317, %broadcast_in_dim3A_305, %select_n3A_289 : vector<1x1024xi1>, vector<1x1024xf32>
    %get3A_320 = arith.constant 2048 : index
    %get3A_321 = arith.constant 0 : index
    %get3A_322 = vector.load %arg2[%get3A_320, %get3A_321] : memref<8192x64xf32, #tpu.memory_space<vmem>>, vector<1024x64xf32>
    %get3A_323 = arith.constant 2048 : index
    %get3A_324 = arith.constant 0 : index
    %get3A_325 = vector.load %arg4[%get3A_323, %get3A_324] : memref<8192x1xf32, #tpu.memory_space<vmem>>, vector<1024x1xf32>
    %add3A_326 = arith.addf %get3A_322, %get3A_322 : vector<1024x64xf32>
    %dot_general3A_327 = arith.constant dense<0.000000e+00> : vector<1024x1024xf32>
    %dot_general3A_328 = tpu.matmul %add3A_326, %get3A_250, %dot_general3A_327 {dimension_numbers = #tpu.dot_dimension_numbers<[1], [0], [0], [1], [0, 0, 1, 1], [], []>, transpose_lhs_hint = false} : vector<1024x64xf32>, vector<64x1024xf32>, vector<1024x1024xf32> -> vector<1024x1024xf32>
    %add3A_329 = vector.broadcast %get3A_255 : vector<1x1024xf32> to vector<1024x1024xf32>
    %add3A_330 = vector.broadcast %get3A_325 : vector<1024x1xf32> to vector<1024x1024xf32>
    %add3A_331 = arith.addf %add3A_329, %add3A_330 : vector<1024x1024xf32>
    %sub3A_332 = arith.subf %add3A_331, %dot_general3A_328 : vector<1024x1024xf32>
    %reduce_min3A_333 = arith.constant dense<0x7F800000> : vector<1024xf32>
    %reduce_min3A_334 = vector.multi_reduction <minimumf>, %sub3A_332, %reduce_min3A_333 [0] : vector<1024x1024xf32> to vector<1024xf32>
    %broadcast_in_dim3A_335 = vector.shape_cast %reduce_min3A_334 : vector<1024xf32> to vector<1x1024xf32>
    %eq3A_336 = vector.broadcast %broadcast_in_dim3A_335 : vector<1x1024xf32> to vector<1024x1024xf32>
    %eq3A_337 = arith.cmpf oeq, %sub3A_332, %eq3A_336 : vector<1024x1024xf32>
    %jit3A_338 = arith.constant 1.024000e+03 : f32
    %broadcast_in_dim3A_339 = vector.broadcast %jit3A_338 : f32 to vector<1024x1024xf32>
    %select_n3A_340 = arith.select %eq3A_337, %convert_element_type3A, %broadcast_in_dim3A_339 : vector<1024x1024xi1>, vector<1024x1024xf32>
    %reduce_min3A_341 = arith.constant dense<0x7F800000> : vector<1024xf32>
    %reduce_min3A_342 = vector.multi_reduction <minimumf>, %select_n3A_340, %reduce_min3A_341 [0] : vector<1024x1024xf32> to vector<1024xf32>
    %broadcast_in_dim3A_343 = vector.shape_cast %reduce_min3A_342 : vector<1024xf32> to vector<1x1024xf32>
    %add3A_344 = arith.constant 2.048000e+03 : f32
    %add3A_345 = vector.broadcast %add3A_344 : f32 to vector<1x1024xf32>
    %add3A_346 = arith.addf %broadcast_in_dim3A_343, %add3A_345 : vector<1x1024xf32>
    %lt3A_347 = arith.cmpf olt, %broadcast_in_dim3A_335, %select_n3A_319 : vector<1x1024xf32>
    %select_n3A_348 = arith.select %lt3A_347, %add3A_346, %select_n3A_318 : vector<1x1024xi1>, vector<1x1024xf32>
    %select_n3A_349 = arith.select %lt3A_347, %broadcast_in_dim3A_335, %select_n3A_319 : vector<1x1024xi1>, vector<1x1024xf32>
    %get3A_350 = arith.constant 3072 : index
    %get3A_351 = arith.constant 0 : index
    %get3A_352 = vector.load %arg2[%get3A_350, %get3A_351] : memref<8192x64xf32, #tpu.memory_space<vmem>>, vector<1024x64xf32>
    %get3A_353 = arith.constant 3072 : index
    %get3A_354 = arith.constant 0 : index
    %get3A_355 = vector.load %arg4[%get3A_353, %get3A_354] : memref<8192x1xf32, #tpu.memory_space<vmem>>, vector<1024x1xf32>
    %add3A_356 = arith.addf %get3A_352, %get3A_352 : vector<1024x64xf32>
    %dot_general3A_357 = arith.constant dense<0.000000e+00> : vector<1024x1024xf32>
    %dot_general3A_358 = tpu.matmul %add3A_356, %get3A_250, %dot_general3A_357 {dimension_numbers = #tpu.dot_dimension_numbers<[1], [0], [0], [1], [0, 0, 1, 1], [], []>, transpose_lhs_hint = false} : vector<1024x64xf32>, vector<64x1024xf32>, vector<1024x1024xf32> -> vector<1024x1024xf32>
    %add3A_359 = vector.broadcast %get3A_255 : vector<1x1024xf32> to vector<1024x1024xf32>
    %add3A_360 = vector.broadcast %get3A_355 : vector<1024x1xf32> to vector<1024x1024xf32>
    %add3A_361 = arith.addf %add3A_359, %add3A_360 : vector<1024x1024xf32>
    %sub3A_362 = arith.subf %add3A_361, %dot_general3A_358 : vector<1024x1024xf32>
    %reduce_min3A_363 = arith.constant dense<0x7F800000> : vector<1024xf32>
    %reduce_min3A_364 = vector.multi_reduction <minimumf>, %sub3A_362, %reduce_min3A_363 [0] : vector<1024x1024xf32> to vector<1024xf32>
    %broadcast_in_dim3A_365 = vector.shape_cast %reduce_min3A_364 : vector<1024xf32> to vector<1x1024xf32>
    %eq3A_366 = vector.broadcast %broadcast_in_dim3A_365 : vector<1x1024xf32> to vector<1024x1024xf32>
    %eq3A_367 = arith.cmpf oeq, %sub3A_362, %eq3A_366 : vector<1024x1024xf32>
    %jit3A_368 = arith.constant 1.024000e+03 : f32
    %broadcast_in_dim3A_369 = vector.broadcast %jit3A_368 : f32 to vector<1024x1024xf32>
    %select_n3A_370 = arith.select %eq3A_367, %convert_element_type3A, %broadcast_in_dim3A_369 : vector<1024x1024xi1>, vector<1024x1024xf32>
    %reduce_min3A_371 = arith.constant dense<0x7F800000> : vector<1024xf32>
    %reduce_min3A_372 = vector.multi_reduction <minimumf>, %select_n3A_370, %reduce_min3A_371 [0] : vector<1024x1024xf32> to vector<1024xf32>
    %broadcast_in_dim3A_373 = vector.shape_cast %reduce_min3A_372 : vector<1024xf32> to vector<1x1024xf32>
    %add3A_374 = arith.constant 3.072000e+03 : f32
    %add3A_375 = vector.broadcast %add3A_374 : f32 to vector<1x1024xf32>
    %add3A_376 = arith.addf %broadcast_in_dim3A_373, %add3A_375 : vector<1x1024xf32>
    %lt3A_377 = arith.cmpf olt, %broadcast_in_dim3A_365, %select_n3A_349 : vector<1x1024xf32>
    %select_n3A_378 = arith.select %lt3A_377, %add3A_376, %select_n3A_348 : vector<1x1024xi1>, vector<1x1024xf32>
    %select_n3A_379 = arith.select %lt3A_377, %broadcast_in_dim3A_365, %select_n3A_349 : vector<1x1024xi1>, vector<1x1024xf32>
    %get3A_380 = arith.constant 4096 : index
    %get3A_381 = arith.constant 0 : index
    %get3A_382 = vector.load %arg2[%get3A_380, %get3A_381] : memref<8192x64xf32, #tpu.memory_space<vmem>>, vector<1024x64xf32>
    %get3A_383 = arith.constant 4096 : index
    %get3A_384 = arith.constant 0 : index
    %get3A_385 = vector.load %arg4[%get3A_383, %get3A_384] : memref<8192x1xf32, #tpu.memory_space<vmem>>, vector<1024x1xf32>
    %add3A_386 = arith.addf %get3A_382, %get3A_382 : vector<1024x64xf32>
    %dot_general3A_387 = arith.constant dense<0.000000e+00> : vector<1024x1024xf32>
    %dot_general3A_388 = tpu.matmul %add3A_386, %get3A_250, %dot_general3A_387 {dimension_numbers = #tpu.dot_dimension_numbers<[1], [0], [0], [1], [0, 0, 1, 1], [], []>, transpose_lhs_hint = false} : vector<1024x64xf32>, vector<64x1024xf32>, vector<1024x1024xf32> -> vector<1024x1024xf32>
    %add3A_389 = vector.broadcast %get3A_255 : vector<1x1024xf32> to vector<1024x1024xf32>
    %add3A_390 = vector.broadcast %get3A_385 : vector<1024x1xf32> to vector<1024x1024xf32>
    %add3A_391 = arith.addf %add3A_389, %add3A_390 : vector<1024x1024xf32>
    %sub3A_392 = arith.subf %add3A_391, %dot_general3A_388 : vector<1024x1024xf32>
    %reduce_min3A_393 = arith.constant dense<0x7F800000> : vector<1024xf32>
    %reduce_min3A_394 = vector.multi_reduction <minimumf>, %sub3A_392, %reduce_min3A_393 [0] : vector<1024x1024xf32> to vector<1024xf32>
    %broadcast_in_dim3A_395 = vector.shape_cast %reduce_min3A_394 : vector<1024xf32> to vector<1x1024xf32>
    %eq3A_396 = vector.broadcast %broadcast_in_dim3A_395 : vector<1x1024xf32> to vector<1024x1024xf32>
    %eq3A_397 = arith.cmpf oeq, %sub3A_392, %eq3A_396 : vector<1024x1024xf32>
    %jit3A_398 = arith.constant 1.024000e+03 : f32
    %broadcast_in_dim3A_399 = vector.broadcast %jit3A_398 : f32 to vector<1024x1024xf32>
    %select_n3A_400 = arith.select %eq3A_397, %convert_element_type3A, %broadcast_in_dim3A_399 : vector<1024x1024xi1>, vector<1024x1024xf32>
    %reduce_min3A_401 = arith.constant dense<0x7F800000> : vector<1024xf32>
    %reduce_min3A_402 = vector.multi_reduction <minimumf>, %select_n3A_400, %reduce_min3A_401 [0] : vector<1024x1024xf32> to vector<1024xf32>
    %broadcast_in_dim3A_403 = vector.shape_cast %reduce_min3A_402 : vector<1024xf32> to vector<1x1024xf32>
    %add3A_404 = arith.constant 4.096000e+03 : f32
    %add3A_405 = vector.broadcast %add3A_404 : f32 to vector<1x1024xf32>
    %add3A_406 = arith.addf %broadcast_in_dim3A_403, %add3A_405 : vector<1x1024xf32>
    %lt3A_407 = arith.cmpf olt, %broadcast_in_dim3A_395, %select_n3A_379 : vector<1x1024xf32>
    %select_n3A_408 = arith.select %lt3A_407, %add3A_406, %select_n3A_378 : vector<1x1024xi1>, vector<1x1024xf32>
    %select_n3A_409 = arith.select %lt3A_407, %broadcast_in_dim3A_395, %select_n3A_379 : vector<1x1024xi1>, vector<1x1024xf32>
    %get3A_410 = arith.constant 5120 : index
    %get3A_411 = arith.constant 0 : index
    %get3A_412 = vector.load %arg2[%get3A_410, %get3A_411] : memref<8192x64xf32, #tpu.memory_space<vmem>>, vector<1024x64xf32>
    %get3A_413 = arith.constant 5120 : index
    %get3A_414 = arith.constant 0 : index
    %get3A_415 = vector.load %arg4[%get3A_413, %get3A_414] : memref<8192x1xf32, #tpu.memory_space<vmem>>, vector<1024x1xf32>
    %add3A_416 = arith.addf %get3A_412, %get3A_412 : vector<1024x64xf32>
    %dot_general3A_417 = arith.constant dense<0.000000e+00> : vector<1024x1024xf32>
    %dot_general3A_418 = tpu.matmul %add3A_416, %get3A_250, %dot_general3A_417 {dimension_numbers = #tpu.dot_dimension_numbers<[1], [0], [0], [1], [0, 0, 1, 1], [], []>, transpose_lhs_hint = false} : vector<1024x64xf32>, vector<64x1024xf32>, vector<1024x1024xf32> -> vector<1024x1024xf32>
    %add3A_419 = vector.broadcast %get3A_255 : vector<1x1024xf32> to vector<1024x1024xf32>
    %add3A_420 = vector.broadcast %get3A_415 : vector<1024x1xf32> to vector<1024x1024xf32>
    %add3A_421 = arith.addf %add3A_419, %add3A_420 : vector<1024x1024xf32>
    %sub3A_422 = arith.subf %add3A_421, %dot_general3A_418 : vector<1024x1024xf32>
    %reduce_min3A_423 = arith.constant dense<0x7F800000> : vector<1024xf32>
    %reduce_min3A_424 = vector.multi_reduction <minimumf>, %sub3A_422, %reduce_min3A_423 [0] : vector<1024x1024xf32> to vector<1024xf32>
    %broadcast_in_dim3A_425 = vector.shape_cast %reduce_min3A_424 : vector<1024xf32> to vector<1x1024xf32>
    %eq3A_426 = vector.broadcast %broadcast_in_dim3A_425 : vector<1x1024xf32> to vector<1024x1024xf32>
    %eq3A_427 = arith.cmpf oeq, %sub3A_422, %eq3A_426 : vector<1024x1024xf32>
    %jit3A_428 = arith.constant 1.024000e+03 : f32
    %broadcast_in_dim3A_429 = vector.broadcast %jit3A_428 : f32 to vector<1024x1024xf32>
    %select_n3A_430 = arith.select %eq3A_427, %convert_element_type3A, %broadcast_in_dim3A_429 : vector<1024x1024xi1>, vector<1024x1024xf32>
    %reduce_min3A_431 = arith.constant dense<0x7F800000> : vector<1024xf32>
    %reduce_min3A_432 = vector.multi_reduction <minimumf>, %select_n3A_430, %reduce_min3A_431 [0] : vector<1024x1024xf32> to vector<1024xf32>
    %broadcast_in_dim3A_433 = vector.shape_cast %reduce_min3A_432 : vector<1024xf32> to vector<1x1024xf32>
    %add3A_434 = arith.constant 5.120000e+03 : f32
    %add3A_435 = vector.broadcast %add3A_434 : f32 to vector<1x1024xf32>
    %add3A_436 = arith.addf %broadcast_in_dim3A_433, %add3A_435 : vector<1x1024xf32>
    %lt3A_437 = arith.cmpf olt, %broadcast_in_dim3A_425, %select_n3A_409 : vector<1x1024xf32>
    %select_n3A_438 = arith.select %lt3A_437, %add3A_436, %select_n3A_408 : vector<1x1024xi1>, vector<1x1024xf32>
    %select_n3A_439 = arith.select %lt3A_437, %broadcast_in_dim3A_425, %select_n3A_409 : vector<1x1024xi1>, vector<1x1024xf32>
    %get3A_440 = arith.constant 6144 : index
    %get3A_441 = arith.constant 0 : index
    %get3A_442 = vector.load %arg2[%get3A_440, %get3A_441] : memref<8192x64xf32, #tpu.memory_space<vmem>>, vector<1024x64xf32>
    %get3A_443 = arith.constant 6144 : index
    %get3A_444 = arith.constant 0 : index
    %get3A_445 = vector.load %arg4[%get3A_443, %get3A_444] : memref<8192x1xf32, #tpu.memory_space<vmem>>, vector<1024x1xf32>
    %add3A_446 = arith.addf %get3A_442, %get3A_442 : vector<1024x64xf32>
    %dot_general3A_447 = arith.constant dense<0.000000e+00> : vector<1024x1024xf32>
    %dot_general3A_448 = tpu.matmul %add3A_446, %get3A_250, %dot_general3A_447 {dimension_numbers = #tpu.dot_dimension_numbers<[1], [0], [0], [1], [0, 0, 1, 1], [], []>, transpose_lhs_hint = false} : vector<1024x64xf32>, vector<64x1024xf32>, vector<1024x1024xf32> -> vector<1024x1024xf32>
    %add3A_449 = vector.broadcast %get3A_255 : vector<1x1024xf32> to vector<1024x1024xf32>
    %add3A_450 = vector.broadcast %get3A_445 : vector<1024x1xf32> to vector<1024x1024xf32>
    %add3A_451 = arith.addf %add3A_449, %add3A_450 : vector<1024x1024xf32>
    %sub3A_452 = arith.subf %add3A_451, %dot_general3A_448 : vector<1024x1024xf32>
    %reduce_min3A_453 = arith.constant dense<0x7F800000> : vector<1024xf32>
    %reduce_min3A_454 = vector.multi_reduction <minimumf>, %sub3A_452, %reduce_min3A_453 [0] : vector<1024x1024xf32> to vector<1024xf32>
    %broadcast_in_dim3A_455 = vector.shape_cast %reduce_min3A_454 : vector<1024xf32> to vector<1x1024xf32>
    %eq3A_456 = vector.broadcast %broadcast_in_dim3A_455 : vector<1x1024xf32> to vector<1024x1024xf32>
    %eq3A_457 = arith.cmpf oeq, %sub3A_452, %eq3A_456 : vector<1024x1024xf32>
    %jit3A_458 = arith.constant 1.024000e+03 : f32
    %broadcast_in_dim3A_459 = vector.broadcast %jit3A_458 : f32 to vector<1024x1024xf32>
    %select_n3A_460 = arith.select %eq3A_457, %convert_element_type3A, %broadcast_in_dim3A_459 : vector<1024x1024xi1>, vector<1024x1024xf32>
    %reduce_min3A_461 = arith.constant dense<0x7F800000> : vector<1024xf32>
    %reduce_min3A_462 = vector.multi_reduction <minimumf>, %select_n3A_460, %reduce_min3A_461 [0] : vector<1024x1024xf32> to vector<1024xf32>
    %broadcast_in_dim3A_463 = vector.shape_cast %reduce_min3A_462 : vector<1024xf32> to vector<1x1024xf32>
    %add3A_464 = arith.constant 6.144000e+03 : f32
    %add3A_465 = vector.broadcast %add3A_464 : f32 to vector<1x1024xf32>
    %add3A_466 = arith.addf %broadcast_in_dim3A_463, %add3A_465 : vector<1x1024xf32>
    %lt3A_467 = arith.cmpf olt, %broadcast_in_dim3A_455, %select_n3A_439 : vector<1x1024xf32>
    %select_n3A_468 = arith.select %lt3A_467, %add3A_466, %select_n3A_438 : vector<1x1024xi1>, vector<1x1024xf32>
    %select_n3A_469 = arith.select %lt3A_467, %broadcast_in_dim3A_455, %select_n3A_439 : vector<1x1024xi1>, vector<1x1024xf32>
    %get3A_470 = arith.constant 7168 : index
    %get3A_471 = arith.constant 0 : index
    %get3A_472 = vector.load %arg2[%get3A_470, %get3A_471] : memref<8192x64xf32, #tpu.memory_space<vmem>>, vector<1024x64xf32>
    %get3A_473 = arith.constant 7168 : index
    %get3A_474 = arith.constant 0 : index
    %get3A_475 = vector.load %arg4[%get3A_473, %get3A_474] : memref<8192x1xf32, #tpu.memory_space<vmem>>, vector<1024x1xf32>
    %add3A_476 = arith.addf %get3A_472, %get3A_472 : vector<1024x64xf32>
    %dot_general3A_477 = arith.constant dense<0.000000e+00> : vector<1024x1024xf32>
    %dot_general3A_478 = tpu.matmul %add3A_476, %get3A_250, %dot_general3A_477 {dimension_numbers = #tpu.dot_dimension_numbers<[1], [0], [0], [1], [0, 0, 1, 1], [], []>, transpose_lhs_hint = false} : vector<1024x64xf32>, vector<64x1024xf32>, vector<1024x1024xf32> -> vector<1024x1024xf32>
    %add3A_479 = vector.broadcast %get3A_255 : vector<1x1024xf32> to vector<1024x1024xf32>
    %add3A_480 = vector.broadcast %get3A_475 : vector<1024x1xf32> to vector<1024x1024xf32>
    %add3A_481 = arith.addf %add3A_479, %add3A_480 : vector<1024x1024xf32>
    %sub3A_482 = arith.subf %add3A_481, %dot_general3A_478 : vector<1024x1024xf32>
    %reduce_min3A_483 = arith.constant dense<0x7F800000> : vector<1024xf32>
    %reduce_min3A_484 = vector.multi_reduction <minimumf>, %sub3A_482, %reduce_min3A_483 [0] : vector<1024x1024xf32> to vector<1024xf32>
    %broadcast_in_dim3A_485 = vector.shape_cast %reduce_min3A_484 : vector<1024xf32> to vector<1x1024xf32>
    %eq3A_486 = vector.broadcast %broadcast_in_dim3A_485 : vector<1x1024xf32> to vector<1024x1024xf32>
    %eq3A_487 = arith.cmpf oeq, %sub3A_482, %eq3A_486 : vector<1024x1024xf32>
    %jit3A_488 = arith.constant 1.024000e+03 : f32
    %broadcast_in_dim3A_489 = vector.broadcast %jit3A_488 : f32 to vector<1024x1024xf32>
    %select_n3A_490 = arith.select %eq3A_487, %convert_element_type3A, %broadcast_in_dim3A_489 : vector<1024x1024xi1>, vector<1024x1024xf32>
    %reduce_min3A_491 = arith.constant dense<0x7F800000> : vector<1024xf32>
    %reduce_min3A_492 = vector.multi_reduction <minimumf>, %select_n3A_490, %reduce_min3A_491 [0] : vector<1024x1024xf32> to vector<1024xf32>
    %broadcast_in_dim3A_493 = vector.shape_cast %reduce_min3A_492 : vector<1024xf32> to vector<1x1024xf32>
    %add3A_494 = arith.constant 7.168000e+03 : f32
    %add3A_495 = vector.broadcast %add3A_494 : f32 to vector<1x1024xf32>
    %add3A_496 = arith.addf %broadcast_in_dim3A_493, %add3A_495 : vector<1x1024xf32>
    %lt3A_497 = arith.cmpf olt, %broadcast_in_dim3A_485, %select_n3A_469 : vector<1x1024xf32>
    %select_n3A_498 = arith.select %lt3A_497, %add3A_496, %select_n3A_468 : vector<1x1024xi1>, vector<1x1024xf32>
    %reshape3A_499 = vector.shape_cast %select_n3A_498 : vector<1x1024xf32> to vector<8x128xf32>
    %convert_element_type3A_500 = arith.fptosi %reshape3A_499 : vector<8x128xf32> to vector<8x128xi32>
    %swap3A_501 = arith.constant 8 : index
    %swap3A_502 = arith.constant 0 : index
    %swap3A_503 = vector.load %arg5[%swap3A_501, %swap3A_502] : memref<16x128xi32, #tpu.memory_space<vmem>>, vector<8x128xi32>
    tpu.vector_store %arg5[%swap3A_501, %swap3A_502], %convert_element_type3A_500 {strides = array<i32>} : memref<16x128xi32, #tpu.memory_space<vmem>>, vector<8x128xi32>,
    return
  }
  func.func @transform_0(%arg0: i32) -> (i32, i32, i32) {
    %c0_i32 = arith.constant 0 : i32
    %c0_i32_0 = arith.constant 0 : i32
    %c0_i32_1 = arith.constant 0 : i32
    return %arg0, %c0_i32, %c0_i32_0 : i32, i32, i32
  }
  func.func @transform_1(%arg0: i32) -> (i32, i32) {
    %c0_i32 = arith.constant 0 : i32
    %c0_i32_0 = arith.constant 0 : i32
    %c0_i32_1 = arith.constant 0 : i32
    return %c0_i32, %c0_i32_0 : i32, i32
  }
  func.func @transform_2(%arg0: i32) -> (i32, i32, i32) {
    %c0_i32 = arith.constant 0 : i32
    %c0_i32_0 = arith.constant 0 : i32
    %c0_i32_1 = arith.constant 0 : i32
    return %arg0, %c0_i32, %c0_i32_0 : i32, i32, i32
  }
  func.func @transform_3(%arg0: i32) -> (i32, i32) {
    %c0_i32 = arith.constant 0 : i32
    %c0_i32_0 = arith.constant 0 : i32
    %c0_i32_1 = arith.constant 0 : i32
    return %c0_i32, %c0_i32_0 : i32, i32
  }
  func.func @transform_4(%arg0: i32) -> (i32, i32) {
    %c0_i32 = arith.constant 0 : i32
    %c0_i32_0 = arith.constant 0 : i32
    return %arg0, %c0_i32 : i32, i32
  }
}

</mosaic_0001>

<sc_bundles>
// kernel: kernel.4.cloned.1.call-start
scs
__scs_entry_jumppad:
0x0: {  	(pc) =	sbr.rel $0x88, $3  }
0x1: {  	(tag) =	ssettag $0x0;
	lr =	simm.s32 $0x1  }
0x2: {  	[smem:$0x3F9F] =	sst lr;
	_ =	strace $0xD0000000  }
0x3: {  	_ = 	snop  }
0x4: {  	_ = 	snop  }
0x5: {  	_ = 	snop  }
0x6: {  	_ = 	snop  }
0x7: {  	_ = 	snop  }
__scs_overlays_trampoline_lowered:
0x8: {  	[smem:$0x3FAE] =	sst s0  }
0x9: {  	[smem:$0x3FAF] =	sst s1  }
0xa: {  	[smem:$0x3FB0] =	sst s2  }
0xb: {  	[smem:$0x3FB1] =	sst s3  }
0xc: {  	[smem:$0x3FB2] =	sst s4  }
0xd: {  	[smem:$0x3FB3] =	sst s5  }
0xe: {  	[smem:$0x3FB4] =	sst s6  }
0xf: {  	[smem:$0x3FB5] =	sst s7  }
0x10: {  	[smem:$0x3FB6] =	sst s8  }
0x11: {  	[smem:$0x3FB7] =	sst s9;
	s0 =	simm.s32 @!p0 $0x0  }
0x12: {  	s1 =	sld [smem:$0x3F9D];
	s0 =	simm.s32 @p0 $0x1  }
0x13: {  	[smem:$0x3FB8] =	sst s0;
	s0 =	simm.s32 @!p1 $0x0  }
0x14: {  	s2 =	sld [smem:$0x3F9C];
	s0 =	simm.s32 @p1 $0x1  }
0x15: {  	[smem:$0x3FB9] =	sst s0;
	s0 =	simm.s32 @!p2 $0x0  }
0x16: {  	s3 =	sld [smem:$0x3FDB];
	s0 =	simm.s32 @p2 $0x1  }
0x17: {  	s4 =	simm.s32 $0x1BF5;
	[smem:$0x3FBB] =	sst s0  }
0x18: {  	s0 =	sld [smem:$0x3F9E];
	_ =	swait.ge [sflag:s4], $0x0  }
0x19: {  	s7 =	sld [smem:$0x3F9F]  }
0x1a: {  	s8 =	sadd.s32 $0xFFFFE003, lr  }
0x1b: {  	s9 =	sadd.s32 $0xFFFFFEF7, lr;
	s5 =	simm.s32 $0xFFFFFFFF;
	p2 =	slt.u32 s8, $0xFFFFF086  }
0x1c: {  	p1 =	slt.u32 s9, $0xF7A;
	s5 =	simm.s32 @!p2 $0x0  }
0x1d: {  	s5 =	simm.s32 @p1 $0x1;
	p0 =	seq.s32 s7, s2  }
0x1e: {  	s7 =	smul.u32 @!p0 $0xF7A, s2;
	p2 =	seq.s32 @!p0 s5, $0x0  }
0x1f: {  	s9 =	smul.u32 $0xF7A, s1;
	s8 =	simm.s32 @!p0 $0x1BF5;
	p2 =	por !p2, p0  }
0x20: {  	[sflag:s8] =	ssyncset.s32 @!p0 $0xFFFFF086;
	s6 =	sadd.s32 @!p0 s3, s7;
	s7 =	simm.s32 @!p0 $0x108  }
0x21: {  	s3 =	sadd.s32 s3, s9;
	s6 =	sadd.s32 @!p0 $0x88, s6;
	s7 =	simm.s32 @p2 $0x1082  }
0x22: {  	[simem:s7], [sflag:s8] =	dma.local @!p0 [hbm:s6], $0xF7A  }
0x23: {  	s9 =	sor.u32 $0xD0000000, s2;
	s6 =	simm.s32 $0x108;
	_ =	swait.ge @!p0 [sflag:s8], $0x0  }
0x24: {  	s3 =	sadd.s32 $0x88, s3;
	s6 =	simm.s32 @!p1 $0x1082;
	[sflag:s4] =	ssyncset.s32 $0xFFFFF086  }
0x25: {  	[simem:s6], [sflag:s4] =	dma.local [hbm:s3], $0xF7A  }
0x26: {  	[smem:$0x3F9F] =	sst s1;
	(tag) =	ssettag s2;
	_ =	strace s9  }
0x27: {  	s1 =	sld [smem:$0x3FAF]  }
0x28: {  	s2 =	sld [smem:$0x3FB0]  }
0x29: {  	s4 =	sld [smem:$0x3FB2]  }
0x2a: {  	p0 =	seq.s32 s5, $0x0;
	s5 =	sld [smem:$0x3FB3]  }
0x2b: {  	s6 =	sld [smem:$0x3FB4]  }
0x2c: {  	s7 =	sld [smem:$0x3FB5]  }
0x2d: {  	s3 =	simm.s32 $0x108;
	s8 =	sld [smem:$0x3FB6]  }
0x2e: {  	s3 =	simm.s32 @!p0 $0x1082;
	s9 =	sld [smem:$0x3FB7]  }
0x2f: {  	lr =	sadd.s32 s0, s3;
	s0 =	sld [smem:$0x3FAE]  }
0x30: {  	s3 =	sld [smem:$0x3FB1]  }
0x31: {  	[smem:$0x3FBA] =	sst s10  }
0x32: {  	s10 =	sld [smem:$0x3FB8];
	_ =	sdelay $0x3  }
0x33: {  	p0 =	seq.s32 s10, $0x1;
	s10 =	sld [smem:$0x3FBA];
	_ =	sdelay $0x3  }
0x34: {  	[smem:$0x3FBA] =	sst s10  }
0x35: {  	s10 =	sld [smem:$0x3FB9];
	_ =	sdelay $0x3  }
0x36: {  	p1 =	seq.s32 s10, $0x1;
	s10 =	sld [smem:$0x3FBA];
	_ =	sdelay $0x3  }
0x37: {  	[smem:$0x3FBA] =	sst s10  }
0x38: {  	s10 =	sld [smem:$0x3FBB]  }
0x39: {  	_ = 	snop;
	(pc) =	sbr.ind lr, $3  }
0x3a: {  	_ = 	snop  }
0x3b: {  	_ = 	snop  }
0x3c: {  	p2 =	seq.s32 s10, $0x1;
	s10 =	sld [smem:$0x3FBA]  }
0x3d: {  	_ =	shalt  }
0x3e: {  	_ =	shalt  }
0x3f: {  	_ =	shalt  }
0x40: {  	_ =	shalt  }
0x41: {  	_ =	shalt  }
0x42: {  	_ =	shalt  }
0x43: {  	_ =	shalt  }
0x44: {  	_ =	shalt  }
0x45: {  	_ =	shalt  }
0x46: {  	_ =	shalt  }
0x47: {  	_ =	shalt  }
0x48: {  	_ =	shalt  }
0x49: {  	_ =	shalt  }
0x4a: {  	_ =	shalt  }
0x4b: {  	_ =	shalt  }
0x4c: {  	_ =	shalt  }
0x4d: {  	_ =	shalt  }
0x4e: {  	_ =	shalt  }
0x4f: {  	_ =	shalt  }
0x50: {  	_ =	shalt  }
0x51: {  	_ =	shalt  }
0x52: {  	_ =	shalt  }
0x53: {  	_ =	shalt  }
0x54: {  	_ =	shalt  }
0x55: {  	_ =	shalt  }
0x56: {  	_ =	shalt  }
0x57: {  	_ =	shalt  }
0x58: {  	_ =	shalt  }
0x59: {  	_ =	shalt  }
0x5a: {  	_ =	shalt  }
0x5b: {  	_ =	shalt  }
0x5c: {  	_ =	shalt  }
0x5d: {  	_ =	shalt  }
0x5e: {  	_ =	shalt  }
0x5f: {  	_ =	shalt  }
0x60: {  	_ =	shalt  }
0x61: {  	_ =	shalt  }
0x62: {  	_ =	shalt  }
0x63: {  	_ =	shalt  }
0x64: {  	_ =	shalt  }
0x65: {  	_ =	shalt  }
0x66: {  	_ =	shalt  }
0x67: {  	_ =	shalt  }
0x68: {  	_ =	shalt  }
0x69: {  	_ =	shalt  }
0x6a: {  	_ =	shalt  }
0x6b: {  	_ =	shalt  }
0x6c: {  	_ =	shalt  }
0x6d: {  	_ =	shalt  }
0x6e: {  	_ =	shalt  }
0x6f: {  	_ =	shalt  }
0x70: {  	_ =	shalt  }
0x71: {  	_ =	shalt  }
0x72: {  	_ =	shalt  }
0x73: {  	_ =	shalt  }
0x74: {  	_ =	shalt  }
0x75: {  	_ =	shalt  }
0x76: {  	_ =	shalt  }
0x77: {  	_ =	shalt  }
0x78: {  	_ =	shalt  }
0x79: {  	_ =	shalt  }
0x7a: {  	_ =	shalt  }
0x7b: {  	_ =	shalt  }
0x7c: {  	_ =	shalt  }
0x7d: {  	_ =	shalt  }
0x7e: {  	_ =	shalt  }
0x7f: {  	_ =	shalt  }
0x80: {  	_ =	shalt  }
0x81: {  	_ =	shalt  }
0x82: {  	_ =	shalt  }
0x83: {  	_ =	shalt  }
0x84: {  	_ =	shalt  }
0x85: {  	_ =	shalt  }
0x86: {  	_ =	shalt  }
0x87: {  	_ =	shalt  }
.Lfunc_end0:
.L_simem_size_0:
called_computation_lowered:
.L_overlay_start_0:
0x88: {  	s2 =	sld [smem:$0x3FD9]  }
0x89: {  	s3 =	sld [smem:$0x3FFE];
	_ =	sdelay $0x1  }
0x8a: {  	s1 =	srdreg.scid  }
0x8b: {  	s0 =	sand.u32 $0x1, s1  }
0x8c: {  	s17 =	sshll.u32 s0, $0xA;
	s2 =	sadd.s32 s3, s2  }
0x8d: {  	s2 =	sadd.s32 s2, s17  }
0x8e: {  	[smem:$0x3FC6] =	sst s2  }
0x8f: {  	_ = 	snop  }
0x90: {  	s2 =	sld [smem:$0x3FD0];
	(tm) =	ssettm $0x1  }
0x91: {  	s18 =	sld [smem:$0x3FFB];
	_ =	sdelay $0x3  }
0x92: {  	_ =	strace s18  }
0x93: {  	s3 =	sld [smem:$0x3FFC];
	_ =	sdelay $0x3  }
0x94: {  	_ =	strace s3  }
0x95: {  	s3 =	sld [smem:$0x3FFD];
	_ =	sdelay $0x3  }
0x96: {  	_ =	strace s3  }
0x97: {  	_ =	strace $0x8FFFFFFF  }
0x98: {  	s19 =	sld [smem:$0x3FDB];
	_ =	sdelay $0x1  }
0x99: {  	s4 =	simm.s32 $_scs_section_size  }
0x9a: {  	s5 =	simm.s32 $_size__tile_overlayer_lowered;
	s6 =	simm.s32 $_tile_overlayer_lowered  }
0x9b: {  	s22 =	simm.s32 $0x1BFF;
	s21 =	sshll.u32 s6, $0x1;
	s3 =	sadd.s32 s4, s19  }
0x9c: {  	s7 =	simm.s32 $0x0;
	s20 =	sshll.u32 s5, $0x1;
	s5 =	sadd.s32 s21, s3  }
0x9d: {  	[timem:s7], [sflag:s22] =	dma.local [hbm:s5], s20  }
0x9e: {  	_ =	swait.ge [sflag:s22], s20  }
0x9f: {  	s4 =	ssub.s32 $0x0, s20;
	[sflag:s22] =	ssyncset.done $0x0  }
0xa0: {  	[sflag:s22] =	ssyncadd.s32 s4;
	_ =	sdelay $0x1  }
0xa1: {  	s23 =	simm.s32 $0x1B8B  }
0xa2: {  	_ =	swait.ge [sflag:s23], $0x1  }
0xa3: {  	[sflag:s23] =	ssyncset.done $0x0  }
0xa4: {  	s25 =	simm.s32 $0x1B8E;
	s24 =	sld [smem:$0x3FFE];
	[sflag:s23] =	ssyncadd.s32 $0xFFFFFFFF  }
0xa5: {  	s26 =	simm.s32 $execute0_lowered;
	[smem:$0x3FD2] =	sst s25  }
0xa6: {  	s5 =	sshll.u32 s26, $0x1;
	_ =	strace $0x80000046;
	[dreg:$0x1] =	wrdreg $0xFFFFFFFF  }
0xa7: {  	s28 =	simm.s32 $_size_execute0_lowered;
	s3 =	sadd.s32 s3, s5;
	[dreg:$0x0] =	wrdreg $0x0  }
0xa8: {  	s5 =	sshll.u32 s28, $0x1;
	[dreg:$0x2] =	wrdreg s3  }
0xa9: {  	[dreg:$0x3] =	wrdreg s5  }
0xaa: {  	[dreg:$0x4] =	wrdreg $0xC0  }
0xab: {  	_ =	task [dreg:s7], $0x5FFFF  }
0xac: {  	[dreg:$0x1] =	wrdreg $0xFFFFFFFF  }
0xad: {  	[dreg:$0x0] =	wrdreg $0x60  }
0xae: {  	[dreg:$0x2] =	wrdreg s2  }
0xaf: {  	[dreg:$0x3] =	wrdreg s24  }
0xb0: {  	[dreg:$0x4] =	wrdreg $0x9  }
0xb1: {  	_ =	task.clear_ibuf [dreg:s7], $0x5FFFF;
	_ =	strace $0x90000046  }
0xb2: {  	s29 =	simm.s32 $0x9;
	_ =	strace $0x80000048  }
0xb3: {  	_ =	swait.ge [sflag:s29], $0x1  }
0xb4: {  	[sflag:s29] =	ssyncadd.s32 $0xFFFFFFFF  }
0xb5: {  	_ =	strace $0x90000048  }
0xb6: {  	_ =	sfence  }
0xb7: {  	s30 =	sld [smem:$0x0];
	_ =	sdelay $0x2  }
0xb8: {  	s31 =	sshll.u32 s1, $0xD;
	s1 =	sshrl.u32 s1, $0x2  }
0xb9: {  	s3 =	sand.u32 $0x4000, s31;
	s1 =	sadd.s32 s1, s30  }
0xba: {  	s0 =	sor.u32 s3, s0;
	s1 =	sshll.u32 s1, $0x11  }
0xbb: {  	s0 =	sor.u32 s1, s0  }
0xbc: {  	s0 =	sadd.s32 $0x8F2B, s0  }
0xbd: {  	[sflag:s0] =	ssyncadd.remote.s32 $0x1  }
0xbe: {  	_ =	sfence.sel $0xFFFF  }
0xbf: {  	[dreg:$0x0] =	wrdreg $0xFFFFFFFF;
	(pc) =	sbr.abs _section_cstart, $3  }
0xc0: {  	[dreg:$0x1] =	wrdreg $0xFFFFFFFF  }
0xc1: {  	_ =	task.clear_ibuf [dreg:s7], $0x2FFFF;
	_ =	strace $0x9FFFFFFF  }
0xc2: {  	(tm) =	ssettm $0x7FFFFFFF  }
0xc3: {  	_ =	shalt  }
tec
execute0_lowered:
.L_overlay_start_1:
0x0: {  	(tag) =	ssettag $0x1  }
0x1: {  	s2 =	rddreg [dreg:$0x0]  }
0x2: {  	s1 =	srdreg.scid;
	s0 =	stileid.u32  }
0x3: {  	s14 =	rddreg [dreg:$0x1];
	s15 =	sand.u32 $0x1, s1;
	s4 =	sshll.u32 s0, $0x1  }
0x4: {  	s3 =	simm.s32 $0x0;
	s1 =	rddreg [dreg:$0x2];
	s16 =	sor.u32 s15, s4  }
0x5: {  	[smem:$0x7FF] =	sst s3;
	s4 =	sshll.u32 s16, $0x6  }
0x6: {  	_ =	strace $0x80000047;
	s5 =	sadd.s32 s14, s4;
	s4 =	simm.s32 $0x2  }
0x7: {  	[tilespmem:s3], [sflag:$0x2] =	stream.linear.gather [hbm4b:s5+s3], $0x200, $0x38;
	[tilespmem:$0x8200] =	vst v63  }
0x8: {  	_ =	swait.ge [sflag:s4], $0x200  }
0x9: {  	[sflag:s4] =	ssyncset.done $0x0  }
0xa: {  	s6 =	simm.s32 $0x80;
	s7 =	simm.s32 $0x200;
	[sflag:s4] =	ssyncadd.s32 $0xFFFFFE00  }
0xb: {  	[tilespmem:s7], [sflag:$0x1] =	stream.indirect.gather [hbm4b:s2+s6], $0x40, s3, s6, $0xb8;
	[tilespmem:$0x8200] =	vst v63  }
0xc: {  	s8 =	simm.s32 $0x2200  }
0xd: {  	[tilespmem:s8], [sflag:$0x1] =	stream.indirect.gather [hbm4b:s2+s6], $0x40, s6, s6, $0xb8;
	[tilespmem:$0x8200] =	vst v63  }
0xe: {  	s9 =	simm.s32 $0x100;
	s10 =	simm.s32 $0x4200  }
0xf: {  	[tilespmem:s10], [sflag:$0x1] =	stream.indirect.gather [hbm4b:s2+s6], $0x40, s9, s6, $0xb8;
	[tilespmem:$0x8200] =	vst v63  }
0x10: {  	s11 =	simm.s32 $0x180;
	s12 =	simm.s32 $0x6200;
	s13 =	simm.s32 $0x1  }
0x11: {  	[tilespmem:s12], [sflag:$0x1] =	stream.indirect.gather [hbm4b:s2+s6], $0x40, s11, s6, $0xb8;
	[tilespmem:$0x8200] =	vst v63  }
0x12: {  	_ =	swait.ge [sflag:s13], $0x2000  }
0x13: {  	[sflag:s13] =	ssyncset.done $0x0  }
0x14: {  	[sflag:s13] =	ssyncadd.s32 $0xFFFFE000  }
0x15: {  	_ =	swait.ge [sflag:s13], $0x2000  }
0x16: {  	[sflag:s13] =	ssyncset.done $0x0  }
0x17: {  	s15 =	ssub.s32 $0x2, s15;
	[sflag:s13] =	ssyncadd.s32 $0xFFFFE000  }
0x18: {  	s17 =	sshrl.u32 s15, $0x1;
	_ =	swait.ge [sflag:s13], $0x2000  }
0x19: {  	s15 =	ssub.s32 s15, s17;
	[sflag:s13] =	ssyncset.done $0x0  }
0x1a: {  	s15 =	smax.u32 s15, $0x1;
	[sflag:s13] =	ssyncadd.s32 $0xFFFFE000  }
0x1b: {  	s16 =	sshll.u32 s16, $0xC;
	p0 =	sne.s32 s15, $0x1;
	_ =	swait.ge [sflag:s13], $0x2000  }
.Ltmp0:
0x1c: {  	s14 =	sadd.s32 s16, s14;
	[sflag:s13] =	ssyncset.done $0x0;
	(pc) =	sbr.rel @!p0 .LBB2_2-.Ltmp0, $4  }
0x1d: {  	s14 =	sadd.s32 $0x800, s14;
	[sflag:s13] =	ssyncadd.s32 $0xFFFFE000  }
0x1e: {  	[hbm4b:s14+s3] =	stream.linear.scatter [tilespmem:s7], [sflag:$0x2], $0x8000, $0x38;
	[tilespmem:$0x8200] =	vst v63  }
0x1f: {  	_ =	swait.ge [sflag:s4], $0x8000  }
0x20: {  	s15 =	sadd.s32 $0xFFFFFFFF, s15;
	[sflag:s4] =	ssyncset.done $0x0  }
.LBB2_1:
0x21: {  	p0 =	sne.s32 s15, $0x1;
	s15 =	sadd.s32 $0xFFFFFFFF, s15;
	[sflag:s4] =	ssyncadd.s32 $0xFFFF8000  }
0x22: {  	[tilespmem:s3], [sflag:$0x2] =	stream.linear.gather [hbm4b:s5+s3], $0x200, $0x38;
	[tilespmem:$0x8200] =	vst v63  }
0x23: {  	_ =	swait.ge [sflag:s4], $0x200  }
0x24: {  	[sflag:s4] =	ssyncset.done $0x0  }
0x25: {  	[sflag:s4] =	ssyncadd.s32 $0xFFFFFE00  }
0x26: {  	[tilespmem:s7], [sflag:$0x1] =	stream.indirect.gather [hbm4b:s2+s6], $0x40, s3, s6, $0xb8;
	[tilespmem:$0x8200] =	vst v63  }
0x27: {  	_ = 	snop  }
0x28: {  	[tilespmem:s8], [sflag:$0x1] =	stream.indirect.gather [hbm4b:s2+s6], $0x40, s6, s6, $0xb8;
	[tilespmem:$0x8200] =	vst v63  }
0x29: {  	_ = 	snop  }
0x2a: {  	[tilespmem:s10], [sflag:$0x1] =	stream.indirect.gather [hbm4b:s2+s6], $0x40, s9, s6, $0xb8;
	[tilespmem:$0x8200] =	vst v63  }
0x2b: {  	_ = 	snop  }
0x2c: {  	[tilespmem:s12], [sflag:$0x1] =	stream.indirect.gather [hbm4b:s2+s6], $0x40, s11, s6, $0xb8;
	[tilespmem:$0x8200] =	vst v63  }
0x2d: {  	_ =	swait.ge [sflag:s13], $0x2000  }
0x2e: {  	[sflag:s13] =	ssyncset.done $0x0  }
0x2f: {  	[sflag:s13] =	ssyncadd.s32 $0xFFFFE000  }
0x30: {  	_ =	swait.ge [sflag:s13], $0x2000  }
0x31: {  	[sflag:s13] =	ssyncset.done $0x0  }
0x32: {  	[sflag:s13] =	ssyncadd.s32 $0xFFFFE000  }
0x33: {  	_ =	swait.ge [sflag:s13], $0x2000  }
0x34: {  	[sflag:s13] =	ssyncset.done $0x0  }
0x35: {  	[sflag:s13] =	ssyncadd.s32 $0xFFFFE000  }
0x36: {  	_ =	swait.ge [sflag:s13], $0x2000  }
.Ltmp1:
0x37: {  	[sflag:s13] =	ssyncset.done $0x0;
	(pc) =	sbr.rel @p0 .LBB2_1-.Ltmp1, $4  }
0x38: {  	[sflag:s13] =	ssyncadd.s32 $0xFFFFE000  }
0x39: {  	[hbm4b:s14+s3] =	stream.linear.scatter [tilespmem:s7], [sflag:$0x2], $0x8000, $0x38;
	[tilespmem:$0x8200] =	vst v63  }
0x3a: {  	_ =	swait.ge [sflag:s4], $0x8000  }
0x3b: {  	[sflag:s4] =	ssyncset.done $0x0  }
.LBB2_2:
0x3c: {  	[sflag:s4] =	ssyncadd.s32 $0xFFFF8000  }
0x3d: {  	_ =	sfence.sel $0x180000  }
0x3e: {  	[bflag:$0x0] =	sbarrier.arrive $0xFFFF  }
0x3f: {  	p0 =	sne.s32 s0, $0x0;
	_ =	strace $0x90000047  }
0x40: {  	s0 =	sadd.s32 @!p0 $0x100000, s1;
	[bflag:$0x2] =	sbarrier.arrive $0xFFFF  }
0x41: {  	[sflag:s0] =	ssyncadd.tile.s32 @!p0 $0x1;
	_ =	shalt  }
.Lfunc_end2:
_tile_overlayer_lowered:
.L_overlay_start_2:
0x42: {  	(tag) =	ssettag $0x2  }
0x43: {  	s0 =	rddreg [dreg:$0x0];
	s2 =	stileid.u32  }
0x44: {  	s1 =	rddreg [dreg:$0x1];
	p0 =	sne.s32 s2, $0x0  }
0x45: {  	s3 =	rddreg [dreg:$0x2];
	[bflag:$0x3] =	sbarrier.arrive $0xFFFF;
	s2 =	simm.s32 @!p0 $0x1C02  }
0x46: {  	[timem:s3], [sflag:s2] =	dma.local @!p0 [hbm:s0], s1  }
0x47: {  	s0 =	simm.s32 @!p0 $0x2  }
0x48: {  	_ =	swait.ge @!p0 [sflag:s0], s1  }
0x49: {  	s1 =	ssub.s32 @!p0 $0x0, s1;
	[sflag:s0] =	ssyncset.done @!p0 $0x0  }
0x4a: {  	[sflag:s0] =	ssyncadd.s32 @!p0 s1  }
0x4b: {  	[bflag:$0x3] =	sbarrier.arrive $0xFFFF  }
0x4c: {  	_ =	shalt  }

</sc_bundles>
